<compile_context>
chip_gen: v7x
topology: tpu7x:2x2x1
jax: 0.10.2.dev20260603
libtpu: 0.0.44.dev20260713+nightly
codegen_flags: <defaults>
</compile_context>

<pallas_src>
import functools

import jax
import jax.numpy as jnp
from jax import lax
from jax.experimental import pallas as pl
from jax.experimental.pallas import tpu as pltpu
from jax.experimental.pallas import tpu_sc as plsc

MODEL = 128
NHEAD = 4
NCELLS = 512
VOCAB = 1000
MEM = 64
B, T = 8, 128
IFACE_PAD = 512


def _make_sc_gather():
    info = plsc.get_sparse_core_info()
    nc, ns = info.num_cores, info.num_subcores
    nw = nc * ns
    n_idx = T * B
    per_w = n_idx // nw
    mesh = plsc.VectorSubcoreMesh(core_axis_name="c", subcore_axis_name="s")

    @functools.partial(
        pl.kernel,
        mesh=mesh,
        out_type=jax.ShapeDtypeStruct((n_idx, MODEL), jnp.float32),
        scratch_types=[
            pltpu.VMEM((per_w,), jnp.int32),
            pltpu.VMEM((per_w, MODEL), jnp.float32),
            pltpu.SemaphoreType.DMA,
        ],
    )
    def gather(table_hbm, idx_hbm, out_hbm, idx_v, rows_v, sem):
        wid = lax.axis_index("s") * nc + lax.axis_index("c")
        base = wid * per_w
        pltpu.sync_copy(idx_hbm.at[pl.ds(base, per_w)], idx_v)
        pltpu.async_copy(table_hbm.at[idx_v], rows_v, sem).wait()
        pltpu.sync_copy(rows_v, out_hbm.at[pl.ds(base, per_w)])

    return gather


def _dot(a, b, ca, cb):
    return lax.dot_general(
        a, b, (((ca,), (cb,)), ((), ())), preferred_element_type=jnp.float32
    )


def _bdot(a, b, ca, cb):
    return lax.dot_general(
        a, b, (((ca,), (cb,)), ((0,), (0,))), preferred_element_type=jnp.float32
    )


def _softplus(x):
    return jnp.maximum(x, 0.0) + jnp.log(1.0 + jnp.exp(-jnp.abs(x)))


def _dnc_body(
    xs_ref, wallx_ref, wallrh_ref, bl_ref, wif_ref, bif_ref,
    wouth_ref, woutr_ref, wfc_ref, bfc_ref, out_ref,
    m8, catrh, cB, nrm, outs_h, outs_r, wwS, evS, wvS, xg,
):
    m8[...] = jnp.zeros_like(m8)
    catrh[...] = jnp.zeros_like(catrh)
    cB[...] = jnp.zeros_like(cB)
    nrm[...] = jnp.zeros_like(nrm)
    wwS[...] = jnp.zeros_like(wwS)
    evS[...] = jnp.zeros_like(evS)
    wvS[...] = jnp.zeros_like(wvS)

    xflat = xs_ref[...].reshape(T * B, MODEL)
    xg[...] = _dot(xflat, wallx_ref[...], 1, 1).reshape(T, B, 4 * MODEL)

    wallrh = wallrh_ref[...]
    bl = bl_ref[...]
    wif = wif_ref[...]
    bif = bif_ref[...]

    def step(t, carry):
        wwp = wwS[...][:, None, :]
        m = m8[...] * (1.0 - wwp * evS[...][:, :, None]) + wwp * wvS[...][:, :, None]
        m8[...] = m
        msq = m * m

        gates = xg[t] + _dot(catrh[...], wallrh, 1, 1) + bl
        ig = jax.nn.sigmoid(gates[:, 0:MODEL])
        fg = jax.nn.sigmoid(gates[:, MODEL : 2 * MODEL])
        gg = jnp.tanh(gates[:, 2 * MODEL : 3 * MODEL])
        og = jax.nn.sigmoid(gates[:, 3 * MODEL : 4 * MODEL])
        c_new = fg * cB[...] + ig * gg
        h_new = og * jnp.tanh(c_new)
        cB[...] = c_new
        catrh[:, NHEAD * MEM :] = h_new
        outs_h[t] = h_new

        iface = _dot(h_new, wif, 1, 1) + bif
        wk = iface[:, NHEAD * MEM : NHEAD * MEM + MEM]
        wv = iface[:, NHEAD * MEM + MEM : NHEAD * MEM + 2 * MEM]
        ev = jax.nn.sigmoid(iface[:, NHEAD * MEM + 2 * MEM : NHEAD * MEM + 3 * MEM])
        betas = _softplus(iface[:, NHEAD * MEM + 3 * MEM : NHEAD * MEM + 3 * MEM + NHEAD + 1]) + 1.0
        rbeta = betas[:, 0:NHEAD]
        wbeta = betas[:, NHEAD : NHEAD + 1]

        rk_all = iface[:, 0 : NHEAD * MEM].reshape(B, NHEAD, MEM)
        wknorm = jnp.sqrt(jnp.sum(wk * wk, axis=1, keepdims=True))
        rknorm = jnp.sqrt(jnp.sum(rk_all * rk_all, axis=2, keepdims=True))

        evrk = rk_all * ev[:, None, :]
        evwv = ev * wv
        kmat = jnp.concatenate(
            [wk[:, None, :], rk_all, evrk, wv[:, None, :], evwv[:, None, :]],
            axis=1,
        )
        qmat = jnp.concatenate(
            [jnp.ones((B, 1, MEM), jnp.float32), ev[:, None, :], (ev * ev)[:, None, :]],
            axis=1,
        )
        sims = _bdot(kmat, m, 2, 1)
        sq = _bdot(qmat, msq, 2, 1)
        s_rv = jnp.sum(rk_all * wv[:, None, :], axis=2, keepdims=True)
        s_vv = jnp.sum(wv * wv, axis=1)[:, None, None]

        simw = sims[:, 0] / (nrm[...] + 1e-6) * (wbeta / (wknorm + 1e-6))
        e = jnp.exp(jnp.maximum(simw - wbeta, -60.0))
        ww = e / jnp.sum(e, axis=-1, keepdims=True)

        ww3 = ww[:, None, :]
        simr_raw = sims[:, 1 : 1 + NHEAD] - ww3 * sims[:, 1 + NHEAD : 1 + 2 * NHEAD] + ww3 * s_rv
        nrm2_new = (
            sq[:, 0:1]
            - 2.0 * ww3 * sq[:, 1:2]
            + (ww3 * ww3) * sq[:, 2:3]
            + 2.0 * ww3 * sims[:, 9:10]
            - 2.0 * (ww3 * ww3) * sims[:, 10:11]
            + (ww3 * ww3) * s_vv
        )
        nrm_new = jnp.sqrt(jnp.maximum(nrm2_new, 0.0))
        nrm[...] = nrm_new[:, 0]

        simr = simr_raw / (nrm_new + 1e-6) * (rbeta[:, :, None] / (rknorm + 1e-6))
        er = jnp.exp(jnp.maximum(simr - rbeta[:, :, None], -60.0))
        wr = er / jnp.sum(er, axis=-1, keepdims=True)

        wrw = wr * ww3
        wr2 = jnp.concatenate([wr, wrw], axis=1)
        rsum = _bdot(wr2, m, 2, 2)
        srw = jnp.sum(wrw, axis=2, keepdims=True)
        reads = (
            rsum[:, 0:NHEAD]
            - rsum[:, NHEAD : 2 * NHEAD] * ev[:, None, :]
            + srw * wv[:, None, :]
        )
        r_new = reads.reshape(B, NHEAD * MEM)
        catrh[:, 0 : NHEAD * MEM] = r_new
        outs_r[t] = r_new
        wwS[...] = ww
        evS[...] = ev
        wvS[...] = wv
        return carry

    lax.fori_loop(0, T, step, 0)

    wouth = wouth_ref[...]
    woutr = woutr_ref[...]
    wfc = wfc_ref[...]
    bfc = bfc_ref[...]
    for b in range(B):
        src_b = (
            _dot(outs_h[:, b, :], wouth, 1, 1)
            + _dot(outs_r[:, b, :], woutr, 1, 1)
        )
        out_ref[b] = _dot(wfc, src_b, 1, 1) + bfc


def _recurrence(xs, wallx, wallrh, bl, wifp, bifp, wouth, woutr, wfc, bfc):
    return pl.pallas_call(
        _dnc_body,
        out_shape=jax.ShapeDtypeStruct((B, VOCAB, T), jnp.float32),
        scratch_shapes=[
            pltpu.VMEM((B, MEM, NCELLS), jnp.float32),
            pltpu.VMEM((B, NHEAD * MEM + MODEL), jnp.float32),
            pltpu.VMEM((B, MODEL), jnp.float32),
            pltpu.VMEM((B, NCELLS), jnp.float32),
            pltpu.VMEM((T, B, MODEL), jnp.float32),
            pltpu.VMEM((T, B, NHEAD * MEM), jnp.float32),
            pltpu.VMEM((B, NCELLS), jnp.float32),
            pltpu.VMEM((B, MEM), jnp.float32),
            pltpu.VMEM((B, MEM), jnp.float32),
            pltpu.VMEM((T, B, 4 * MODEL), jnp.float32),
        ],
    )(xs, wallx, wallrh, bl, wifp, bifp, wouth, woutr, wfc, bfc)


def kernel(input, emb, W_ih, W_hh, b_lstm, W_if, b_if, W_out, b_out, W_fc, b_fc):
    idx = jnp.swapaxes(input, 0, 1).reshape(T * B).astype(jnp.int32)
    rows = _make_sc_gather()(emb, idx)
    xs = rows.reshape(T, B, MODEL)

    wallx = W_ih[:, :MODEL]
    wallrh = jnp.concatenate([W_ih[:, MODEL:], W_hh], axis=1)
    bl = b_lstm.reshape(1, -1)
    iface_dim = W_if.shape[0]
    wifp = jnp.zeros((IFACE_PAD, MODEL), jnp.float32).at[:iface_dim].set(W_if)
    bifp = jnp.zeros((1, IFACE_PAD), jnp.float32).at[0, :iface_dim].set(b_if)
    wouth = W_out[:, :MODEL]
    woutr = W_out[:, MODEL:]
    bfc = (W_fc @ b_out + b_fc).reshape(-1, 1)

    return _recurrence(xs, wallx, wallrh, bl, wifp, bifp, wouth, woutr, W_fc, bfc)

# --- scband reference (transcript-rebuilt; emitter-appended) ---
"""Pipeline reference for scband-dncmdsae-68736656605195 (READ-ONLY COPY).

The authoritative reference and input builder live on the scoring server;
editing this copy changes nothing except your own understanding.
"""

import jax, jax.numpy as jnp
import numpy as np

MODEL = 128
NHEAD = 4
NCELLS = 512
VOCAB = 1000
MEM = 64
B, T = 8, 128
IFACE = NHEAD * MEM + 3 * MEM + NHEAD + 1


def setup_inputs(seed: int = 0) -> dict:
    key = jax.random.key(seed)
    ks = jax.random.split(key, 12)
    s = 0.02
    inp = {}
    inp["input"] = jax.random.randint(ks[0], (B, T), 0, VOCAB)
    inp["emb"] = jax.random.normal(ks[1], (VOCAB, MODEL), dtype=jnp.float32) * s
    in_dim = MODEL + NHEAD * MEM
    inp["W_ih"] = jax.random.normal(ks[2], (4 * MODEL, in_dim), dtype=jnp.float32) * s
    inp["W_hh"] = jax.random.normal(ks[3], (4 * MODEL, MODEL), dtype=jnp.float32) * s
    inp["b_lstm"] = jnp.zeros((4 * MODEL,), dtype=jnp.float32)
    inp["W_if"] = jax.random.normal(ks[4], (IFACE, MODEL), dtype=jnp.float32) * s
    inp["b_if"] = jnp.zeros((IFACE,), dtype=jnp.float32)
    inp["W_out"] = jax.random.normal(ks[5], (MODEL, MODEL + NHEAD * MEM), dtype=jnp.float32) * s
    inp["b_out"] = jnp.zeros((MODEL,), dtype=jnp.float32)
    inp["W_fc"] = jax.random.normal(ks[6], (VOCAB, MODEL), dtype=jnp.float32) * s
    inp["b_fc"] = jnp.zeros((VOCAB,), dtype=jnp.float32)
    return inp


def _cosine_address(M, k, beta):
    # M: [B, N, W], k: [B, H, W], beta: [B, H] -> weights [B, H, N]
    Mn = M / (jnp.linalg.norm(M, axis=-1, keepdims=True) + 1e-6)
    kn = k / (jnp.linalg.norm(k, axis=-1, keepdims=True) + 1e-6)
    sim = jnp.einsum('bnw,bhw->bhn', Mn, kn)
    return jax.nn.softmax(sim * beta[..., None], axis=-1)


def reference(input, emb, W_ih, W_hh, b_lstm, W_if, b_if, W_out, b_out, W_fc, b_fc):
    x = jnp.take(emb, input, axis=0)  # [B, T, MODEL] embedding gather

    def step(carry, xt):
        h, c, M, r = carry
        lin = jnp.concatenate([xt, r], axis=-1)
        gates = lin @ W_ih.T + h @ W_hh.T + b_lstm
        i, f, g, o = jnp.split(gates, 4, axis=-1)
        i = jax.nn.sigmoid(i); f = jax.nn.sigmoid(f)
        o = jax.nn.sigmoid(o); g = jnp.tanh(g)
        c = f * c + i * g
        h = o * jnp.tanh(c)
        iface = h @ W_if.T + b_if
        idx = 0
        rk = iface[:, idx:idx + NHEAD * MEM].reshape(-1, NHEAD, MEM); idx += NHEAD * MEM
        wk = iface[:, idx:idx + MEM]; idx += MEM
        wv = iface[:, idx:idx + MEM]; idx += MEM
        ev = jax.nn.sigmoid(iface[:, idx:idx + MEM]); idx += MEM
        betas = jax.nn.softplus(iface[:, idx:idx + NHEAD + 1]) + 1.0
        rbeta = betas[:, :NHEAD]
        wbeta = betas[:, NHEAD:]
        # content-based write addressing, then erase/add memory update
        ww = _cosine_address(M, wk[:, None, :], wbeta)[:, 0]  # [B, N]
        M = M * (1.0 - ww[..., None] * ev[:, None, :]) + ww[..., None] * wv[:, None, :]
        # multi-head content-based read
        wr = _cosine_address(M, rk, rbeta)  # [B, H, N]
        reads = jnp.einsum('bhn,bnw->bhw', wr, M).reshape(-1, NHEAD * MEM)
        out = jnp.concatenate([h, reads], axis=-1) @ W_out.T + b_out
        return (h, c, M, reads), out

    h0 = jnp.zeros((B, MODEL), dtype=jnp.float32)
    c0 = jnp.zeros((B, MODEL), dtype=jnp.float32)
    M0 = jnp.zeros((B, NCELLS, MEM), dtype=jnp.float32)
    r0 = jnp.zeros((B, NHEAD * MEM), dtype=jnp.float32)
    _, outs = jax.lax.scan(step, (h0, c0, M0, r0), jnp.swapaxes(x, 0, 1))
    src = jnp.swapaxes(outs, 0, 1)  # [B, T, MODEL]
    logits = src @ W_fc.T + b_fc    # [B, T, VOCAB]
    return jnp.transpose(logits, (0, 2, 1))  # [B, VOCAB, T] (permute(0,2,1))

if __name__ == "__main__":
    import jax
    _d = setup_inputs()
    print(jax.jit(kernel)(*tuple(_d.values())))

</pallas_src>

<mosaic_0001>
#map = affine_map<(d0, d1) -> (0, 0)>
#map1 = affine_map<(d0, d1) -> (0)>
module attributes {stable_mosaic.version = 14 : i64} {
  func.func @gather(%arg0: i32, %arg1: i32, %arg2: memref<1000x128xf32, #tpu.memory_space<hbm>>, %arg3: memref<1024xi32, #tpu.memory_space<hbm>>, %arg4: memref<1024x128xf32, #tpu.memory_space<hbm>>, %arg5: memref<32xi32, #tpu.memory_space<vmem>>, %arg6: memref<32x128xf32, #tpu.memory_space<vmem>>, %arg7: memref<!tpu.dma_semaphore, #tpu.memory_space<semaphore_mem>>) attributes {dimension_semantics = [#tpu.dimension_semantics<core_parallel>, #tpu.dimension_semantics<subcore_parallel>], iteration_bounds = array<i64: 2, 16>, scalar_prefetch = 0 : i64, scratch_operands = 3 : i64, tpu.core_type = #tpu.core_type<sc_vector_subcore>, window_params = [{transform_indices = #map}, {transform_indices = #map1}, {transform_indices = #map}]} {
    %mul3A = arith.constant 2 : i32
    %mul3A_0 = arith.muli %arg1, %mul3A : i32
    %add3A = arith.addi %mul3A_0, %arg0 : i32
    %mul3A_1 = arith.constant 32 : i32
    %mul3A_2 = arith.muli %add3A, %mul3A_1 : i32
    "tpu.region"() ({
      %run_scoped3A = tpu.sem_alloc : memref<!tpu.dma_semaphore, #tpu.memory_space<semaphore_mem>>
      %dma_start3A_7 = tpu.memref_slice %arg3[%mul3A_2] : memref<1024xi32, #tpu.memory_space<hbm>> -> memref<32xi32, #tpu.memory_space<hbm>>
      %dma_start3A_8 = tpu.memref_slice %arg3[%mul3A_2] : memref<1024xi32, #tpu.memory_space<hbm>> -> memref<32xi32, #tpu.memory_space<hbm>>
      tpu.enqueue_dma source(%dma_start3A_8 : memref<32xi32, #tpu.memory_space<hbm>>) target(%arg5 : memref<32xi32, #tpu.memory_space<vmem>>) target_semaphore(%run_scoped3A : memref<!tpu.dma_semaphore, #tpu.memory_space<semaphore_mem>>)
      %dma_wait3A_9 = tpu.memref_slice %arg3[%mul3A_2] : memref<1024xi32, #tpu.memory_space<hbm>> -> memref<32xi32, #tpu.memory_space<hbm>>
      %dma_wait3A_10 = tpu.memref_slice %arg3[%mul3A_2] : memref<1024xi32, #tpu.memory_space<hbm>> -> memref<32xi32, #tpu.memory_space<hbm>>
      tpu.wait_dma2 semaphore(%run_scoped3A : memref<!tpu.dma_semaphore, #tpu.memory_space<semaphore_mem>>) src(%dma_wait3A_10 : memref<32xi32, #tpu.memory_space<hbm>>) dst(%arg5 : memref<32xi32, #tpu.memory_space<vmem>>)
      tpu.yield
    }) : () -> ()
    %dma_start3A = arith.constant 0 : i32
    %dma_start3A_3 = arith.constant 0 : i32
    %dma_start3A_4 = tpu.memref_slice %arg2[%dma_start3A, %dma_start3A_3] : memref<1000x128xf32, #tpu.memory_space<hbm>> -> memref<1000x128xf32, #tpu.memory_space<hbm>>
    tpu.enqueue_indirect_dma source(%dma_start3A_4 : memref<1000x128xf32, #tpu.memory_space<hbm>>) target(%arg6 : memref<32x128xf32, #tpu.memory_space<vmem>>) offsets(%arg5 : memref<32xi32, #tpu.memory_space<vmem>>) semaphore(%arg7 : memref<!tpu.dma_semaphore, #tpu.memory_space<semaphore_mem>>)
    %dma_wait3A = arith.constant 0 : i32
    %dma_wait3A_5 = arith.constant 0 : i32
    %dma_wait3A_6 = tpu.memref_slice %arg2[%dma_wait3A, %dma_wait3A_5] : memref<1000x128xf32, #tpu.memory_space<hbm>> -> memref<1000x128xf32, #tpu.memory_space<hbm>>
    tpu.wait_indirect_dma semaphore(%arg7 : memref<!tpu.dma_semaphore, #tpu.memory_space<semaphore_mem>>) src(%dma_wait3A_6 : memref<1000x128xf32, #tpu.memory_space<hbm>>) dst(%arg6 : memref<32x128xf32, #tpu.memory_space<vmem>>)
    "tpu.region"() ({
      %run_scoped3A = tpu.sem_alloc : memref<!tpu.dma_semaphore, #tpu.memory_space<semaphore_mem>>
      %dma_start3A_7 = arith.constant 0 : i32
      %dma_start3A_8 = tpu.memref_slice %arg4[%mul3A_2, %dma_start3A_7] : memref<1024x128xf32, #tpu.memory_space<hbm>> -> memref<32x128xf32, #tpu.memory_space<hbm>>
      %dma_start3A_9 = arith.constant 0 : i32
      %dma_start3A_10 = tpu.memref_slice %arg4[%mul3A_2, %dma_start3A_9] : memref<1024x128xf32, #tpu.memory_space<hbm>> -> memref<32x128xf32, #tpu.memory_space<hbm>>
      tpu.enqueue_dma source(%arg6 : memref<32x128xf32, #tpu.memory_space<vmem>>) target(%dma_start3A_10 : memref<32x128xf32, #tpu.memory_space<hbm>>) target_semaphore(%run_scoped3A : memref<!tpu.dma_semaphore, #tpu.memory_space<semaphore_mem>>)
      %dma_wait3A_11 = arith.constant 0 : i32
      %dma_wait3A_12 = tpu.memref_slice %arg4[%mul3A_2, %dma_wait3A_11] : memref<1024x128xf32, #tpu.memory_space<hbm>> -> memref<32x128xf32, #tpu.memory_space<hbm>>
      %dma_wait3A_13 = arith.constant 0 : i32
      %dma_wait3A_14 = tpu.memref_slice %arg4[%mul3A_2, %dma_wait3A_13] : memref<1024x128xf32, #tpu.memory_space<hbm>> -> memref<32x128xf32, #tpu.memory_space<hbm>>
      tpu.wait_dma2 semaphore(%run_scoped3A : memref<!tpu.dma_semaphore, #tpu.memory_space<semaphore_mem>>) src(%arg6 : memref<32x128xf32, #tpu.memory_space<vmem>>) dst(%dma_wait3A_14 : memref<32x128xf32, #tpu.memory_space<hbm>>)
      tpu.yield
    }) : () -> ()
    return
  }
}

module attributes {stable_mosaic.version = 14 : i64} {
  func.func @_dnc_body(%arg0: memref<128x8x128xf32, #tpu.memory_space<vmem>>, %arg1: memref<512x128xf32, #tpu.memory_space<vmem>>, %arg2: memref<512x384xf32, #tpu.memory_space<vmem>>, %arg3: memref<1x512xf32, #tpu.memory_space<vmem>>, %arg4: memref<512x128xf32, #tpu.memory_space<vmem>>, %arg5: memref<1x512xf32, #tpu.memory_space<vmem>>, %arg6: memref<128x128xf32, #tpu.memory_space<vmem>>, %arg7: memref<128x256xf32, #tpu.memory_space<vmem>>, %arg8: memref<1000x128xf32, #tpu.memory_space<vmem>>, %arg9: memref<1000x1xf32, #tpu.memory_space<vmem>>, %arg10: memref<8x1000x128xf32, #tpu.memory_space<vmem>>, %arg11: memref<8x64x512xf32, #tpu.memory_space<vmem>>, %arg12: memref<8x384xf32, #tpu.memory_space<vmem>>, %arg13: memref<8x128xf32, #tpu.memory_space<vmem>>, %arg14: memref<8x512xf32, #tpu.memory_space<vmem>>, %arg15: memref<128x8x128xf32, #tpu.memory_space<vmem>>, %arg16: memref<128x8x256xf32, #tpu.memory_space<vmem>>, %arg17: memref<8x512xf32, #tpu.memory_space<vmem>>, %arg18: memref<8x64xf32, #tpu.memory_space<vmem>>, %arg19: memref<8x64xf32, #tpu.memory_space<vmem>>, %arg20: memref<128x8x512xf32, #tpu.memory_space<vmem>>) attributes {dimension_semantics = [], scalar_prefetch = 0 : i64, scratch_operands = 10 : i64, tpu.core_type = #tpu.core_type<tc>} {
    %broadcast_in_dim3A = arith.constant 0.000000e+00 : f32
    %broadcast_in_dim3A_0 = vector.broadcast %broadcast_in_dim3A : f32 to vector<8x64x512xf32>
    %swap3A = arith.constant 0 : index
    %swap3A_1 = arith.constant 0 : index
    %swap3A_2 = arith.constant 0 : index
    %swap3A_3 = vector.load %arg11[%swap3A, %swap3A_1, %swap3A_2] : memref<8x64x512xf32, #tpu.memory_space<vmem>>, vector<8x64x512xf32>
    tpu.vector_store %arg11[%swap3A, %swap3A_1, %swap3A_2], %broadcast_in_dim3A_0 {strides = array<i32>} : memref<8x64x512xf32, #tpu.memory_space<vmem>>, vector<8x64x512xf32>,
    %broadcast_in_dim3A_4 = arith.constant 0.000000e+00 : f32
    %broadcast_in_dim3A_5 = vector.broadcast %broadcast_in_dim3A_4 : f32 to vector<8x384xf32>
    %swap3A_6 = arith.constant 0 : index
    %swap3A_7 = arith.constant 0 : index
    %swap3A_8 = vector.load %arg12[%swap3A_6, %swap3A_7] : memref<8x384xf32, #tpu.memory_space<vmem>>, vector<8x384xf32>
    tpu.vector_store %arg12[%swap3A_6, %swap3A_7], %broadcast_in_dim3A_5 {strides = array<i32>} : memref<8x384xf32, #tpu.memory_space<vmem>>, vector<8x384xf32>,
    %broadcast_in_dim3A_9 = arith.constant 0.000000e+00 : f32
    %broadcast_in_dim3A_10 = vector.broadcast %broadcast_in_dim3A_9 : f32 to vector<8x128xf32>
    %swap3A_11 = arith.constant 0 : index
    %swap3A_12 = arith.constant 0 : index
    %swap3A_13 = vector.load %arg13[%swap3A_11, %swap3A_12] : memref<8x128xf32, #tpu.memory_space<vmem>>, vector<8x128xf32>
    tpu.vector_store %arg13[%swap3A_11, %swap3A_12], %broadcast_in_dim3A_10 {strides = array<i32>} : memref<8x128xf32, #tpu.memory_space<vmem>>, vector<8x128xf32>,
    %broadcast_in_dim3A_14 = arith.constant 0.000000e+00 : f32
    %broadcast_in_dim3A_15 = vector.broadcast %broadcast_in_dim3A_14 : f32 to vector<8x512xf32>
    %swap3A_16 = arith.constant 0 : index
    %swap3A_17 = arith.constant 0 : index
    %swap3A_18 = vector.load %arg14[%swap3A_16, %swap3A_17] : memref<8x512xf32, #tpu.memory_space<vmem>>, vector<8x512xf32>
    tpu.vector_store %arg14[%swap3A_16, %swap3A_17], %broadcast_in_dim3A_15 {strides = array<i32>} : memref<8x512xf32, #tpu.memory_space<vmem>>, vector<8x512xf32>,
    %broadcast_in_dim3A_19 = arith.constant 0.000000e+00 : f32
    %broadcast_in_dim3A_20 = vector.broadcast %broadcast_in_dim3A_19 : f32 to vector<8x512xf32>
    %swap3A_21 = arith.constant 0 : index
    %swap3A_22 = arith.constant 0 : index
    %swap3A_23 = vector.load %arg17[%swap3A_21, %swap3A_22] : memref<8x512xf32, #tpu.memory_space<vmem>>, vector<8x512xf32>
    tpu.vector_store %arg17[%swap3A_21, %swap3A_22], %broadcast_in_dim3A_20 {strides = array<i32>} : memref<8x512xf32, #tpu.memory_space<vmem>>, vector<8x512xf32>,
    %broadcast_in_dim3A_24 = arith.constant 0.000000e+00 : f32
    %broadcast_in_dim3A_25 = vector.broadcast %broadcast_in_dim3A_24 : f32 to vector<8x64xf32>
    %swap3A_26 = arith.constant 0 : index
    %swap3A_27 = arith.constant 0 : index
    %swap3A_28 = vector.load %arg18[%swap3A_26, %swap3A_27] : memref<8x64xf32, #tpu.memory_space<vmem>>, vector<8x64xf32>
    tpu.vector_store %arg18[%swap3A_26, %swap3A_27], %broadcast_in_dim3A_25 {strides = array<i32>} : memref<8x64xf32, #tpu.memory_space<vmem>>, vector<8x64xf32>,
    %broadcast_in_dim3A_29 = arith.constant 0.000000e+00 : f32
    %broadcast_in_dim3A_30 = vector.broadcast %broadcast_in_dim3A_29 : f32 to vector<8x64xf32>
    %swap3A_31 = arith.constant 0 : index
    %swap3A_32 = arith.constant 0 : index
    %swap3A_33 = vector.load %arg19[%swap3A_31, %swap3A_32] : memref<8x64xf32, #tpu.memory_space<vmem>>, vector<8x64xf32>
    tpu.vector_store %arg19[%swap3A_31, %swap3A_32], %broadcast_in_dim3A_30 {strides = array<i32>} : memref<8x64xf32, #tpu.memory_space<vmem>>, vector<8x64xf32>,
    %get3A = arith.constant 0 : index
    %get3A_34 = arith.constant 0 : index
    %get3A_35 = arith.constant 0 : index
    %get3A_36 = vector.load %arg0[%get3A, %get3A_34, %get3A_35] : memref<128x8x128xf32, #tpu.memory_space<vmem>>, vector<128x8x128xf32>
    %reshape3A = vector.shape_cast %get3A_36 : vector<128x8x128xf32> to vector<1024x128xf32>
    %get3A_37 = arith.constant 0 : index
    %get3A_38 = arith.constant 0 : index
    %get3A_39 = vector.load %arg1[%get3A_37, %get3A_38] : memref<512x128xf32, #tpu.memory_space<vmem>>, vector<512x128xf32>
    %dot_general3A = arith.constant dense<0.000000e+00> : vector<1024x512xf32>
    %dot_general3A_40 = tpu.matmul %reshape3A, %get3A_39, %dot_general3A {dimension_numbers = #tpu.dot_dimension_numbers<[1], [1], [0], [0], [0, 0, 1, 0], [], []>, transpose_lhs_hint = false} : vector<1024x128xf32>, vector<512x128xf32>, vector<1024x512xf32> -> vector<1024x512xf32>
    %reshape3A_41 = vector.shape_cast %dot_general3A_40 : vector<1024x512xf32> to vector<128x8x512xf32>
    %swap3A_42 = arith.constant 0 : index
    %swap3A_43 = arith.constant 0 : index
    %swap3A_44 = arith.constant 0 : index
    %swap3A_45 = vector.load %arg20[%swap3A_42, %swap3A_43, %swap3A_44] : memref<128x8x512xf32, #tpu.memory_space<vmem>>, vector<128x8x512xf32>
    tpu.vector_store %arg20[%swap3A_42, %swap3A_43, %swap3A_44], %reshape3A_41 {strides = array<i32>} : memref<128x8x512xf32, #tpu.memory_space<vmem>>, vector<128x8x512xf32>,
    %get3A_46 = arith.constant 0 : index
    %get3A_47 = arith.constant 0 : index
    %get3A_48 = vector.load %arg2[%get3A_46, %get3A_47] : memref<512x384xf32, #tpu.memory_space<vmem>>, vector<512x384xf32>
    %get3A_49 = arith.constant 0 : index
    %get3A_50 = arith.constant 0 : index
    %get3A_51 = vector.load %arg3[%get3A_49, %get3A_50] : memref<1x512xf32, #tpu.memory_space<vmem>>, vector<1x512xf32>
    %get3A_52 = arith.constant 0 : index
    %get3A_53 = arith.constant 0 : index
    %get3A_54 = vector.load %arg4[%get3A_52, %get3A_53] : memref<512x128xf32, #tpu.memory_space<vmem>>, vector<512x128xf32>
    %get3A_55 = arith.constant 0 : index
    %get3A_56 = arith.constant 0 : index
    %get3A_57 = vector.load %arg5[%get3A_55, %get3A_56] : memref<1x512xf32, #tpu.memory_space<vmem>>, vector<1x512xf32>
    %scan3A = arith.constant 0 : i32
    %scan3A_58 = arith.constant 128 : i32
    %scan3A_59 = arith.addi %scan3A, %scan3A_58 : i32
    %scan3A_60 = arith.constant 1 : i32
    scf.for %scan3A_273 = %scan3A to %scan3A_59 step %scan3A_60  : i32 {
      %get3A_274 = arith.constant 0 : index
      %get3A_275 = arith.constant 0 : index
      %get3A_276 = vector.load %arg17[%get3A_274, %get3A_275] : memref<8x512xf32, #tpu.memory_space<vmem>>, vector<8x512xf32>
      %broadcast_in_dim3A_277 = vector.shape_cast %get3A_276 : vector<8x512xf32> to vector<8x1x512xf32>
      %get3A_278 = arith.constant 0 : index
      %get3A_279 = arith.constant 0 : index
      %get3A_280 = arith.constant 0 : index
      %get3A_281 = vector.load %arg11[%get3A_278, %get3A_279, %get3A_280] : memref<8x64x512xf32, #tpu.memory_space<vmem>>, vector<8x64x512xf32>
      %get3A_282 = arith.constant 0 : index
      %get3A_283 = arith.constant 0 : index
      %get3A_284 = vector.load %arg18[%get3A_282, %get3A_283] : memref<8x64xf32, #tpu.memory_space<vmem>>, vector<8x64xf32>
      %broadcast_in_dim3A_285 = vector.shape_cast %get3A_284 : vector<8x64xf32> to vector<8x64x1xf32>
      %mul3A = vector.broadcast %broadcast_in_dim3A_277 : vector<8x1x512xf32> to vector<8x64x512xf32>
      %mul3A_286 = vector.broadcast %broadcast_in_dim3A_285 : vector<8x64x1xf32> to vector<8x64x512xf32>
      %mul3A_287 = arith.mulf %mul3A, %mul3A_286 : vector<8x64x512xf32>
      %sub3A = arith.constant 1.000000e+00 : f32
      %sub3A_288 = vector.broadcast %sub3A : f32 to vector<8x64x512xf32>
      %sub3A_289 = arith.subf %sub3A_288, %mul3A_287 : vector<8x64x512xf32>
      %mul3A_290 = arith.mulf %get3A_281, %sub3A_289 : vector<8x64x512xf32>
      %get3A_291 = arith.constant 0 : index
      %get3A_292 = arith.constant 0 : index
      %get3A_293 = vector.load %arg19[%get3A_291, %get3A_292] : memref<8x64xf32, #tpu.memory_space<vmem>>, vector<8x64xf32>
      %broadcast_in_dim3A_294 = vector.shape_cast %get3A_293 : vector<8x64xf32> to vector<8x64x1xf32>
      %mul3A_295 = vector.broadcast %broadcast_in_dim3A_277 : vector<8x1x512xf32> to vector<8x64x512xf32>
      %mul3A_296 = vector.broadcast %broadcast_in_dim3A_294 : vector<8x64x1xf32> to vector<8x64x512xf32>
      %mul3A_297 = arith.mulf %mul3A_295, %mul3A_296 : vector<8x64x512xf32>
      %add3A_298 = arith.addf %mul3A_290, %mul3A_297 : vector<8x64x512xf32>
      %swap3A_299 = arith.constant 0 : index
      %swap3A_300 = arith.constant 0 : index
      %swap3A_301 = arith.constant 0 : index
      %swap3A_302 = vector.load %arg11[%swap3A_299, %swap3A_300, %swap3A_301] : memref<8x64x512xf32, #tpu.memory_space<vmem>>, vector<8x64x512xf32>
      tpu.vector_store %arg11[%swap3A_299, %swap3A_300, %swap3A_301], %add3A_298 {strides = array<i32>} : memref<8x64x512xf32, #tpu.memory_space<vmem>>, vector<8x64x512xf32>,
      %mul3A_303 = arith.mulf %add3A_298, %add3A_298 : vector<8x64x512xf32>
      %get3A_304 = arith.index_cast %scan3A_273 : i32 to index
      %get3A_305 = arith.constant 0 : index
      %get3A_306 = arith.constant 0 : index
      %get3A_307 = vector.load %arg20[%get3A_304, %get3A_305, %get3A_306] : memref<128x8x512xf32, #tpu.memory_space<vmem>>, vector<1x8x512xf32>
      %get3A_308 = vector.shape_cast %get3A_307 : vector<1x8x512xf32> to vector<8x512xf32>
      %get3A_309 = arith.constant 0 : index
      %get3A_310 = arith.constant 0 : index
      %get3A_311 = vector.load %arg12[%get3A_309, %get3A_310] : memref<8x384xf32, #tpu.memory_space<vmem>>, vector<8x384xf32>
      %dot_general3A_312 = arith.constant dense<0.000000e+00> : vector<8x512xf32>
      %dot_general3A_313 = tpu.matmul %get3A_311, %get3A_48, %dot_general3A_312 {dimension_numbers = #tpu.dot_dimension_numbers<[1], [1], [0], [0], [0, 0, 1, 0], [], []>, transpose_lhs_hint = false} : vector<8x384xf32>, vector<512x384xf32>, vector<8x512xf32> -> vector<8x512xf32>
      %add3A_314 = arith.addf %get3A_308, %dot_general3A_313 : vector<8x512xf32>
      %add3A_315 = vector.broadcast %get3A_51 : vector<1x512xf32> to vector<8x512xf32>
      %add3A_316 = arith.addf %add3A_314, %add3A_315 : vector<8x512xf32>
      %slice3A = vector.extract_strided_slice %add3A_316 {offsets = [0, 0], sizes = [8, 128], strides = [1, 1]} : vector<8x512xf32> to vector<8x128xf32>
      %logistic3A = arith.negf %slice3A : vector<8x128xf32>
      %logistic3A_317 = math.exp %logistic3A : vector<8x128xf32>
      %logistic3A_318 = arith.constant 1.000000e+00 : f32
      %logistic3A_319 = vector.broadcast %logistic3A_318 : f32 to vector<8x128xf32>
      %logistic3A_320 = arith.addf %logistic3A_319, %logistic3A_317 : vector<8x128xf32>
      %logistic3A_321 = arith.divf %logistic3A_319, %logistic3A_320 : vector<8x128xf32>
      %slice3A_322 = vector.extract_strided_slice %add3A_316 {offsets = [0, 128], sizes = [8, 128], strides = [1, 1]} : vector<8x512xf32> to vector<8x128xf32>
      %logistic3A_323 = arith.negf %slice3A_322 : vector<8x128xf32>
      %logistic3A_324 = math.exp %logistic3A_323 : vector<8x128xf32>
      %logistic3A_325 = arith.constant 1.000000e+00 : f32
      %logistic3A_326 = vector.broadcast %logistic3A_325 : f32 to vector<8x128xf32>
      %logistic3A_327 = arith.addf %logistic3A_326, %logistic3A_324 : vector<8x128xf32>
      %logistic3A_328 = arith.divf %logistic3A_326, %logistic3A_327 : vector<8x128xf32>
      %slice3A_329 = vector.extract_strided_slice %add3A_316 {offsets = [0, 256], sizes = [8, 128], strides = [1, 1]} : vector<8x512xf32> to vector<8x128xf32>
      %tanh3A = math.tanh %slice3A_329 : vector<8x128xf32>
      %slice3A_330 = vector.extract_strided_slice %add3A_316 {offsets = [0, 384], sizes = [8, 128], strides = [1, 1]} : vector<8x512xf32> to vector<8x128xf32>
      %logistic3A_331 = arith.negf %slice3A_330 : vector<8x128xf32>
      %logistic3A_332 = math.exp %logistic3A_331 : vector<8x128xf32>
      %logistic3A_333 = arith.constant 1.000000e+00 : f32
      %logistic3A_334 = vector.broadcast %logistic3A_333 : f32 to vector<8x128xf32>
      %logistic3A_335 = arith.addf %logistic3A_334, %logistic3A_332 : vector<8x128xf32>
      %logistic3A_336 = arith.divf %logistic3A_334, %logistic3A_335 : vector<8x128xf32>
      %get3A_337 = arith.constant 0 : index
      %get3A_338 = arith.constant 0 : index
      %get3A_339 = vector.load %arg13[%get3A_337, %get3A_338] : memref<8x128xf32, #tpu.memory_space<vmem>>, vector<8x128xf32>
      %mul3A_340 = arith.mulf %logistic3A_328, %get3A_339 : vector<8x128xf32>
      %mul3A_341 = arith.mulf %logistic3A_321, %tanh3A : vector<8x128xf32>
      %add3A_342 = arith.addf %mul3A_340, %mul3A_341 : vector<8x128xf32>
      %tanh3A_343 = math.tanh %add3A_342 : vector<8x128xf32>
      %mul3A_344 = arith.mulf %logistic3A_336, %tanh3A_343 : vector<8x128xf32>
      %swap3A_345 = arith.constant 0 : index
      %swap3A_346 = arith.constant 0 : index
      %swap3A_347 = vector.load %arg13[%swap3A_345, %swap3A_346] : memref<8x128xf32, #tpu.memory_space<vmem>>, vector<8x128xf32>
      tpu.vector_store %arg13[%swap3A_345, %swap3A_346], %add3A_342 {strides = array<i32>} : memref<8x128xf32, #tpu.memory_space<vmem>>, vector<8x128xf32>,
      %swap3A_348 = arith.constant 0 : index
      %swap3A_349 = arith.constant 256 : index
      %swap3A_350 = vector.load %arg12[%swap3A_348, %swap3A_349] : memref<8x384xf32, #tpu.memory_space<vmem>>, vector<8x128xf32>
      tpu.vector_store %arg12[%swap3A_348, %swap3A_349], %mul3A_344 {strides = array<i32>} : memref<8x384xf32, #tpu.memory_space<vmem>>, vector<8x128xf32>,
      %swap3A_351 = arith.index_cast %scan3A_273 : i32 to index
      %swap3A_352 = arith.constant 0 : index
      %swap3A_353 = arith.constant 0 : index
      %swap3A_354 = vector.load %arg15[%swap3A_351, %swap3A_352, %swap3A_353] : memref<128x8x128xf32, #tpu.memory_space<vmem>>, vector<1x8x128xf32>
      %swap3A_355 = vector.shape_cast %swap3A_354 : vector<1x8x128xf32> to vector<8x128xf32>
      %swap3A_356 = vector.shape_cast %mul3A_344 : vector<8x128xf32> to vector<1x8x128xf32>
      tpu.vector_store %arg15[%swap3A_351, %swap3A_352, %swap3A_353], %swap3A_356 {strides = array<i32>} : memref<128x8x128xf32, #tpu.memory_space<vmem>>, vector<1x8x128xf32>,
      %dot_general3A_357 = arith.constant dense<0.000000e+00> : vector<8x512xf32>
      %dot_general3A_358 = tpu.matmul %mul3A_344, %get3A_54, %dot_general3A_357 {dimension_numbers = #tpu.dot_dimension_numbers<[1], [1], [0], [0], [0, 0, 1, 0], [], []>, transpose_lhs_hint = false} : vector<8x128xf32>, vector<512x128xf32>, vector<8x512xf32> -> vector<8x512xf32>
      %add3A_359 = vector.broadcast %get3A_57 : vector<1x512xf32> to vector<8x512xf32>
      %add3A_360 = arith.addf %dot_general3A_358, %add3A_359 : vector<8x512xf32>
      %slice3A_361 = vector.extract_strided_slice %add3A_360 {offsets = [0, 256], sizes = [8, 64], strides = [1, 1]} : vector<8x512xf32> to vector<8x64xf32>
      %slice3A_362 = vector.extract_strided_slice %add3A_360 {offsets = [0, 320], sizes = [8, 64], strides = [1, 1]} : vector<8x512xf32> to vector<8x64xf32>
      %slice3A_363 = vector.extract_strided_slice %add3A_360 {offsets = [0, 384], sizes = [8, 64], strides = [1, 1]} : vector<8x512xf32> to vector<8x64xf32>
      %logistic3A_364 = arith.negf %slice3A_363 : vector<8x64xf32>
      %logistic3A_365 = math.exp %logistic3A_364 : vector<8x64xf32>
      %logistic3A_366 = arith.constant 1.000000e+00 : f32
      %logistic3A_367 = vector.broadcast %logistic3A_366 : f32 to vector<8x64xf32>
      %logistic3A_368 = arith.addf %logistic3A_367, %logistic3A_365 : vector<8x64xf32>
      %logistic3A_369 = arith.divf %logistic3A_367, %logistic3A_368 : vector<8x64xf32>
      %slice3A_370 = vector.extract_strided_slice %add3A_360 {offsets = [0, 448], sizes = [8, 5], strides = [1, 1]} : vector<8x512xf32> to vector<8x5xf32>
      %max3A = arith.constant 0.000000e+00 : f32
      %max3A_371 = vector.broadcast %max3A : f32 to vector<8x5xf32>
      %max3A_372 = arith.maximumf %slice3A_370, %max3A_371 : vector<8x5xf32>
      %abs3A = math.absf %slice3A_370 : vector<8x5xf32>
      %neg3A = arith.constant 0.000000e+00 : f32
      %neg3A_373 = vector.broadcast %neg3A : f32 to vector<8x5xf32>
      %neg3A_374 = arith.subf %neg3A_373, %abs3A : vector<8x5xf32>
      %exp3A = math.exp %neg3A_374 : vector<8x5xf32>
      %add3A_375 = arith.constant 1.000000e+00 : f32
      %add3A_376 = vector.broadcast %add3A_375 : f32 to vector<8x5xf32>
      %add3A_377 = arith.addf %add3A_376, %exp3A : vector<8x5xf32>
      %log3A = math.log %add3A_377 : vector<8x5xf32>
      %add3A_378 = arith.addf %max3A_372, %log3A : vector<8x5xf32>
      %add3A_379 = arith.constant 1.000000e+00 : f32
      %add3A_380 = vector.broadcast %add3A_379 : f32 to vector<8x5xf32>
      %add3A_381 = arith.addf %add3A_378, %add3A_380 : vector<8x5xf32>
      %slice3A_382 = vector.extract_strided_slice %add3A_381 {offsets = [0, 0], sizes = [8, 4], strides = [1, 1]} : vector<8x5xf32> to vector<8x4xf32>
      %slice3A_383 = vector.extract_strided_slice %add3A_381 {offsets = [0, 4], sizes = [8, 1], strides = [1, 1]} : vector<8x5xf32> to vector<8x1xf32>
      %slice3A_384 = vector.extract_strided_slice %add3A_360 {offsets = [0, 0], sizes = [8, 256], strides = [1, 1]} : vector<8x512xf32> to vector<8x256xf32>
      %reshape3A_385 = vector.shape_cast %slice3A_384 : vector<8x256xf32> to vector<8x4x64xf32>
      %mul3A_386 = arith.mulf %slice3A_361, %slice3A_361 : vector<8x64xf32>
      %reduce_sum3A = arith.constant dense<0.000000e+00> : vector<8xf32>
      %reduce_sum3A_387 = vector.multi_reduction <add>, %mul3A_386, %reduce_sum3A [1] : vector<8x64xf32> to vector<8xf32>
      %broadcast_in_dim3A_388 = vector.shape_cast %reduce_sum3A_387 : vector<8xf32> to vector<8x1xf32>
      %sqrt3A = math.sqrt %broadcast_in_dim3A_388 : vector<8x1xf32>
      %mul3A_389 = arith.mulf %reshape3A_385, %reshape3A_385 : vector<8x4x64xf32>
      %reduce_sum3A_390 = arith.constant dense<0.000000e+00> : vector<8x4xf32>
      %reduce_sum3A_391 = vector.multi_reduction <add>, %mul3A_389, %reduce_sum3A_390 [2] : vector<8x4x64xf32> to vector<8x4xf32>
      %broadcast_in_dim3A_392 = vector.shape_cast %reduce_sum3A_391 : vector<8x4xf32> to vector<8x4x1xf32>
      %sqrt3A_393 = math.sqrt %broadcast_in_dim3A_392 : vector<8x4x1xf32>
      %broadcast_in_dim3A_394 = vector.shape_cast %logistic3A_369 : vector<8x64xf32> to vector<8x1x64xf32>
      %mul3A_395 = vector.broadcast %broadcast_in_dim3A_394 : vector<8x1x64xf32> to vector<8x4x64xf32>
      %mul3A_396 = arith.mulf %reshape3A_385, %mul3A_395 : vector<8x4x64xf32>
      %mul3A_397 = arith.mulf %logistic3A_369, %slice3A_362 : vector<8x64xf32>
      %broadcast_in_dim3A_398 = vector.shape_cast %slice3A_361 : vector<8x64xf32> to vector<8x1x64xf32>
      %broadcast_in_dim3A_399 = vector.shape_cast %slice3A_362 : vector<8x64xf32> to vector<8x1x64xf32>
      %broadcast_in_dim3A_400 = vector.shape_cast %mul3A_397 : vector<8x64xf32> to vector<8x1x64xf32>
      %concatenate3A = tpu.concatenate %broadcast_in_dim3A_398, %reshape3A_385, %mul3A_396, %broadcast_in_dim3A_399, %broadcast_in_dim3A_400 in 1 : vector<8x1x64xf32>, vector<8x4x64xf32>, vector<8x4x64xf32>, vector<8x1x64xf32>, vector<8x1x64xf32> -> vector<8x11x64xf32>
      %broadcast_in_dim3A_401 = arith.constant 1.000000e+00 : f32
      %broadcast_in_dim3A_402 = vector.broadcast %broadcast_in_dim3A_401 : f32 to vector<8x1x64xf32>
      %broadcast_in_dim3A_403 = vector.shape_cast %logistic3A_369 : vector<8x64xf32> to vector<8x1x64xf32>
      %mul3A_404 = arith.mulf %logistic3A_369, %logistic3A_369 : vector<8x64xf32>
      %broadcast_in_dim3A_405 = vector.shape_cast %mul3A_404 : vector<8x64xf32> to vector<8x1x64xf32>
      %concatenate3A_406 = tpu.concatenate %broadcast_in_dim3A_402, %broadcast_in_dim3A_403, %broadcast_in_dim3A_405 in 1 : vector<8x1x64xf32>, vector<8x1x64xf32>, vector<8x1x64xf32> -> vector<8x3x64xf32>
      %dot_general3A_407 = arith.constant dense<0.000000e+00> : vector<8x11x512xf32>
      %dot_general3A_408 = tpu.matmul %concatenate3A, %add3A_298, %dot_general3A_407 {dimension_numbers = #tpu.dot_dimension_numbers<[2], [1], [1], [2], [0, 0, 0, 1, 1, 2], [0], [0]>, transpose_lhs_hint = false} : vector<8x11x64xf32>, vector<8x64x512xf32>, vector<8x11x512xf32> -> vector<8x11x512xf32>
      %dot_general3A_409 = arith.constant dense<0.000000e+00> : vector<8x3x512xf32>
      %dot_general3A_410 = tpu.matmul %concatenate3A_406, %mul3A_303, %dot_general3A_409 {dimension_numbers = #tpu.dot_dimension_numbers<[2], [1], [1], [2], [0, 0, 0, 1, 1, 2], [0], [0]>, transpose_lhs_hint = false} : vector<8x3x64xf32>, vector<8x64x512xf32>, vector<8x3x512xf32> -> vector<8x3x512xf32>
      %broadcast_in_dim3A_411 = vector.shape_cast %slice3A_362 : vector<8x64xf32> to vector<8x1x64xf32>
      %mul3A_412 = vector.broadcast %broadcast_in_dim3A_411 : vector<8x1x64xf32> to vector<8x4x64xf32>
      %mul3A_413 = arith.mulf %reshape3A_385, %mul3A_412 : vector<8x4x64xf32>
      %reduce_sum3A_414 = arith.constant dense<0.000000e+00> : vector<8x4xf32>
      %reduce_sum3A_415 = vector.multi_reduction <add>, %mul3A_413, %reduce_sum3A_414 [2] : vector<8x4x64xf32> to vector<8x4xf32>
      %broadcast_in_dim3A_416 = vector.shape_cast %reduce_sum3A_415 : vector<8x4xf32> to vector<8x4x1xf32>
      %mul3A_417 = arith.mulf %slice3A_362, %slice3A_362 : vector<8x64xf32>
      %reduce_sum3A_418 = arith.constant dense<0.000000e+00> : vector<8xf32>
      %reduce_sum3A_419 = vector.multi_reduction <add>, %mul3A_417, %reduce_sum3A_418 [1] : vector<8x64xf32> to vector<8xf32>
      %broadcast_in_dim3A_420 = vector.shape_cast %reduce_sum3A_419 : vector<8xf32> to vector<8x1x1xf32>
      %slice3A_421 = vector.extract_strided_slice %dot_general3A_408 {offsets = [0, 0, 0], sizes = [8, 1, 512], strides = [1, 1, 1]} : vector<8x11x512xf32> to vector<8x1x512xf32>
      %squeeze3A = vector.shape_cast %slice3A_421 : vector<8x1x512xf32> to vector<8x512xf32>
      %get3A_422 = arith.constant 0 : index
      %get3A_423 = arith.constant 0 : index
      %get3A_424 = vector.load %arg14[%get3A_422, %get3A_423] : memref<8x512xf32, #tpu.memory_space<vmem>>, vector<8x512xf32>
      %add3A_425 = arith.constant 9.99999997E-7 : f32
      %add3A_426 = vector.broadcast %add3A_425 : f32 to vector<8x512xf32>
      %add3A_427 = arith.addf %get3A_424, %add3A_426 : vector<8x512xf32>
      %div3A = arith.divf %squeeze3A, %add3A_427 : vector<8x512xf32>
      %add3A_428 = arith.constant 9.99999997E-7 : f32
      %add3A_429 = vector.broadcast %add3A_428 : f32 to vector<8x1xf32>
      %add3A_430 = arith.addf %sqrt3A, %add3A_429 : vector<8x1xf32>
      %div3A_431 = arith.divf %slice3A_383, %add3A_430 : vector<8x1xf32>
      %mul3A_432 = vector.broadcast %div3A_431 : vector<8x1xf32> to vector<8x512xf32>
      %mul3A_433 = arith.mulf %div3A, %mul3A_432 : vector<8x512xf32>
      %sub3A_434 = vector.broadcast %slice3A_383 : vector<8x1xf32> to vector<8x512xf32>
      %sub3A_435 = arith.subf %mul3A_433, %sub3A_434 : vector<8x512xf32>
      %max3A_436 = arith.constant -6.000000e+01 : f32
      %max3A_437 = vector.broadcast %max3A_436 : f32 to vector<8x512xf32>
      %max3A_438 = arith.maximumf %sub3A_435, %max3A_437 : vector<8x512xf32>
      %exp3A_439 = math.exp %max3A_438 : vector<8x512xf32>
      %reduce_sum3A_440 = arith.constant dense<0.000000e+00> : vector<8xf32>
      %reduce_sum3A_441 = vector.multi_reduction <add>, %exp3A_439, %reduce_sum3A_440 [1] : vector<8x512xf32> to vector<8xf32>
      %broadcast_in_dim3A_442 = vector.shape_cast %reduce_sum3A_441 : vector<8xf32> to vector<8x1xf32>
      %div3A_443 = vector.broadcast %broadcast_in_dim3A_442 : vector<8x1xf32> to vector<8x512xf32>
      %div3A_444 = arith.divf %exp3A_439, %div3A_443 : vector<8x512xf32>
      %broadcast_in_dim3A_445 = vector.shape_cast %div3A_444 : vector<8x512xf32> to vector<8x1x512xf32>
      %slice3A_446 = vector.extract_strided_slice %dot_general3A_408 {offsets = [0, 1, 0], sizes = [8, 4, 512], strides = [1, 1, 1]} : vector<8x11x512xf32> to vector<8x4x512xf32>
      %slice3A_447 = vector.extract_strided_slice %dot_general3A_408 {offsets = [0, 5, 0], sizes = [8, 4, 512], strides = [1, 1, 1]} : vector<8x11x512xf32> to vector<8x4x512xf32>
      %mul3A_448 = vector.broadcast %broadcast_in_dim3A_445 : vector<8x1x512xf32> to vector<8x4x512xf32>
      %mul3A_449 = arith.mulf %mul3A_448, %slice3A_447 : vector<8x4x512xf32>
      %sub3A_450 = arith.subf %slice3A_446, %mul3A_449 : vector<8x4x512xf32>
      %mul3A_451 = vector.broadcast %broadcast_in_dim3A_445 : vector<8x1x512xf32> to vector<8x4x512xf32>
      %mul3A_452 = vector.broadcast %broadcast_in_dim3A_416 : vector<8x4x1xf32> to vector<8x4x512xf32>
      %mul3A_453 = arith.mulf %mul3A_451, %mul3A_452 : vector<8x4x512xf32>
      %add3A_454 = arith.addf %sub3A_450, %mul3A_453 : vector<8x4x512xf32>
      %slice3A_455 = vector.extract_strided_slice %dot_general3A_410 {offsets = [0, 0, 0], sizes = [8, 1, 512], strides = [1, 1, 1]} : vector<8x3x512xf32> to vector<8x1x512xf32>
      %mul3A_456 = arith.constant 2.000000e+00 : f32
      %mul3A_457 = vector.broadcast %mul3A_456 : f32 to vector<8x1x512xf32>
      %mul3A_458 = arith.mulf %mul3A_457, %broadcast_in_dim3A_445 : vector<8x1x512xf32>
      %slice3A_459 = vector.extract_strided_slice %dot_general3A_410 {offsets = [0, 1, 0], sizes = [8, 1, 512], strides = [1, 1, 1]} : vector<8x3x512xf32> to vector<8x1x512xf32>
      %mul3A_460 = arith.mulf %mul3A_458, %slice3A_459 : vector<8x1x512xf32>
      %sub3A_461 = arith.subf %slice3A_455, %mul3A_460 : vector<8x1x512xf32>
      %mul3A_462 = arith.mulf %broadcast_in_dim3A_445, %broadcast_in_dim3A_445 : vector<8x1x512xf32>
      %slice3A_463 = vector.extract_strided_slice %dot_general3A_410 {offsets = [0, 2, 0], sizes = [8, 1, 512], strides = [1, 1, 1]} : vector<8x3x512xf32> to vector<8x1x512xf32>
      %mul3A_464 = arith.mulf %mul3A_462, %slice3A_463 : vector<8x1x512xf32>
      %add3A_465 = arith.addf %sub3A_461, %mul3A_464 : vector<8x1x512xf32>
      %mul3A_466 = arith.constant 2.000000e+00 : f32
      %mul3A_467 = vector.broadcast %mul3A_466 : f32 to vector<8x1x512xf32>
      %mul3A_468 = arith.mulf %mul3A_467, %broadcast_in_dim3A_445 : vector<8x1x512xf32>
      %slice3A_469 = vector.extract_strided_slice %dot_general3A_408 {offsets = [0, 9, 0], sizes = [8, 1, 512], strides = [1, 1, 1]} : vector<8x11x512xf32> to vector<8x1x512xf32>
      %mul3A_470 = arith.mulf %mul3A_468, %slice3A_469 : vector<8x1x512xf32>
      %add3A_471 = arith.addf %add3A_465, %mul3A_470 : vector<8x1x512xf32>
      %mul3A_472 = arith.mulf %broadcast_in_dim3A_445, %broadcast_in_dim3A_445 : vector<8x1x512xf32>
      %mul3A_473 = arith.constant 2.000000e+00 : f32
      %mul3A_474 = vector.broadcast %mul3A_473 : f32 to vector<8x1x512xf32>
      %mul3A_475 = arith.mulf %mul3A_474, %mul3A_472 : vector<8x1x512xf32>
      %slice3A_476 = vector.extract_strided_slice %dot_general3A_408 {offsets = [0, 10, 0], sizes = [8, 1, 512], strides = [1, 1, 1]} : vector<8x11x512xf32> to vector<8x1x512xf32>
      %mul3A_477 = arith.mulf %mul3A_475, %slice3A_476 : vector<8x1x512xf32>
      %sub3A_478 = arith.subf %add3A_471, %mul3A_477 : vector<8x1x512xf32>
      %mul3A_479 = arith.mulf %broadcast_in_dim3A_445, %broadcast_in_dim3A_445 : vector<8x1x512xf32>
      %mul3A_480 = vector.broadcast %broadcast_in_dim3A_420 : vector<8x1x1xf32> to vector<8x1x512xf32>
      %mul3A_481 = arith.mulf %mul3A_479, %mul3A_480 : vector<8x1x512xf32>
      %add3A_482 = arith.addf %sub3A_478, %mul3A_481 : vector<8x1x512xf32>
      %max3A_483 = arith.constant 0.000000e+00 : f32
      %max3A_484 = vector.broadcast %max3A_483 : f32 to vector<8x1x512xf32>
      %max3A_485 = arith.maximumf %add3A_482, %max3A_484 : vector<8x1x512xf32>
      %sqrt3A_486 = math.sqrt %max3A_485 : vector<8x1x512xf32>
      %squeeze3A_487 = vector.shape_cast %sqrt3A_486 : vector<8x1x512xf32> to vector<8x512xf32>
      %swap3A_488 = arith.constant 0 : index
      %swap3A_489 = arith.constant 0 : index
      %swap3A_490 = vector.load %arg14[%swap3A_488, %swap3A_489] : memref<8x512xf32, #tpu.memory_space<vmem>>, vector<8x512xf32>
      tpu.vector_store %arg14[%swap3A_488, %swap3A_489], %squeeze3A_487 {strides = array<i32>} : memref<8x512xf32, #tpu.memory_space<vmem>>, vector<8x512xf32>,
      %add3A_491 = arith.constant 9.99999997E-7 : f32
      %add3A_492 = vector.broadcast %add3A_491 : f32 to vector<8x1x512xf32>
      %add3A_493 = arith.addf %sqrt3A_486, %add3A_492 : vector<8x1x512xf32>
      %div3A_494 = vector.broadcast %add3A_493 : vector<8x1x512xf32> to vector<8x4x512xf32>
      %div3A_495 = arith.divf %add3A_454, %div3A_494 : vector<8x4x512xf32>
      %broadcast_in_dim3A_496 = vector.shape_cast %slice3A_382 : vector<8x4xf32> to vector<8x4x1xf32>
      %add3A_497 = arith.constant 9.99999997E-7 : f32
      %add3A_498 = vector.broadcast %add3A_497 : f32 to vector<8x4x1xf32>
      %add3A_499 = arith.addf %sqrt3A_393, %add3A_498 : vector<8x4x1xf32>
      %div3A_500 = arith.divf %broadcast_in_dim3A_496, %add3A_499 : vector<8x4x1xf32>
      %mul3A_501 = vector.broadcast %div3A_500 : vector<8x4x1xf32> to vector<8x4x512xf32>
      %mul3A_502 = arith.mulf %div3A_495, %mul3A_501 : vector<8x4x512xf32>
      %broadcast_in_dim3A_503 = vector.shape_cast %slice3A_382 : vector<8x4xf32> to vector<8x4x1xf32>
      %sub3A_504 = vector.broadcast %broadcast_in_dim3A_503 : vector<8x4x1xf32> to vector<8x4x512xf32>
      %sub3A_505 = arith.subf %mul3A_502, %sub3A_504 : vector<8x4x512xf32>
      %max3A_506 = arith.constant -6.000000e+01 : f32
      %max3A_507 = vector.broadcast %max3A_506 : f32 to vector<8x4x512xf32>
      %max3A_508 = arith.maximumf %sub3A_505, %max3A_507 : vector<8x4x512xf32>
      %exp3A_509 = math.exp %max3A_508 : vector<8x4x512xf32>
      %reduce_sum3A_510 = arith.constant dense<0.000000e+00> : vector<8x4xf32>
      %reduce_sum3A_511 = vector.multi_reduction <add>, %exp3A_509, %reduce_sum3A_510 [2] : vector<8x4x512xf32> to vector<8x4xf32>
      %broadcast_in_dim3A_512 = vector.shape_cast %reduce_sum3A_511 : vector<8x4xf32> to vector<8x4x1xf32>
      %div3A_513 = vector.broadcast %broadcast_in_dim3A_512 : vector<8x4x1xf32> to vector<8x4x512xf32>
      %div3A_514 = arith.divf %exp3A_509, %div3A_513 : vector<8x4x512xf32>
      %mul3A_515 = vector.broadcast %broadcast_in_dim3A_445 : vector<8x1x512xf32> to vector<8x4x512xf32>
      %mul3A_516 = arith.mulf %div3A_514, %mul3A_515 : vector<8x4x512xf32>
      %concatenate3A_517 = tpu.concatenate %div3A_514, %mul3A_516 in 1 : vector<8x4x512xf32>, vector<8x4x512xf32> -> vector<8x8x512xf32>
      %dot_general3A_518 = arith.constant dense<0.000000e+00> : vector<8x8x64xf32>
      %dot_general3A_519 = tpu.matmul %concatenate3A_517, %add3A_298, %dot_general3A_518 {dimension_numbers = #tpu.dot_dimension_numbers<[2], [2], [1], [1], [0, 0, 0, 1, 1, 1], [0], [0]>, transpose_lhs_hint = false} : vector<8x8x512xf32>, vector<8x64x512xf32>, vector<8x8x64xf32> -> vector<8x8x64xf32>
      %reduce_sum3A_520 = arith.constant dense<0.000000e+00> : vector<8x4xf32>
      %reduce_sum3A_521 = vector.multi_reduction <add>, %mul3A_516, %reduce_sum3A_520 [2] : vector<8x4x512xf32> to vector<8x4xf32>
      %broadcast_in_dim3A_522 = vector.shape_cast %reduce_sum3A_521 : vector<8x4xf32> to vector<8x4x1xf32>
      %slice3A_523 = vector.extract_strided_slice %dot_general3A_519 {offsets = [0, 0, 0], sizes = [8, 4, 64], strides = [1, 1, 1]} : vector<8x8x64xf32> to vector<8x4x64xf32>
      %slice3A_524 = vector.extract_strided_slice %dot_general3A_519 {offsets = [0, 4, 0], sizes = [8, 4, 64], strides = [1, 1, 1]} : vector<8x8x64xf32> to vector<8x4x64xf32>
      %broadcast_in_dim3A_525 = vector.shape_cast %logistic3A_369 : vector<8x64xf32> to vector<8x1x64xf32>
      %mul3A_526 = vector.broadcast %broadcast_in_dim3A_525 : vector<8x1x64xf32> to vector<8x4x64xf32>
      %mul3A_527 = arith.mulf %slice3A_524, %mul3A_526 : vector<8x4x64xf32>
      %sub3A_528 = arith.subf %slice3A_523, %mul3A_527 : vector<8x4x64xf32>
      %broadcast_in_dim3A_529 = vector.shape_cast %slice3A_362 : vector<8x64xf32> to vector<8x1x64xf32>
      %mul3A_530 = vector.broadcast %broadcast_in_dim3A_522 : vector<8x4x1xf32> to vector<8x4x64xf32>
      %mul3A_531 = vector.broadcast %broadcast_in_dim3A_529 : vector<8x1x64xf32> to vector<8x4x64xf32>
      %mul3A_532 = arith.mulf %mul3A_530, %mul3A_531 : vector<8x4x64xf32>
      %add3A_533 = arith.addf %sub3A_528, %mul3A_532 : vector<8x4x64xf32>
      %reshape3A_534 = vector.shape_cast %add3A_533 : vector<8x4x64xf32> to vector<8x256xf32>
      %swap3A_535 = arith.constant 0 : index
      %swap3A_536 = arith.constant 0 : index
      %swap3A_537 = vector.load %arg12[%swap3A_535, %swap3A_536] : memref<8x384xf32, #tpu.memory_space<vmem>>, vector<8x256xf32>
      tpu.vector_store %arg12[%swap3A_535, %swap3A_536], %reshape3A_534 {strides = array<i32>} : memref<8x384xf32, #tpu.memory_space<vmem>>, vector<8x256xf32>,
      %swap3A_538 = arith.index_cast %scan3A_273 : i32 to index
      %swap3A_539 = arith.constant 0 : index
      %swap3A_540 = arith.constant 0 : index
      %swap3A_541 = vector.load %arg16[%swap3A_538, %swap3A_539, %swap3A_540] : memref<128x8x256xf32, #tpu.memory_space<vmem>>, vector<1x8x256xf32>
      %swap3A_542 = vector.shape_cast %swap3A_541 : vector<1x8x256xf32> to vector<8x256xf32>
      %swap3A_543 = vector.shape_cast %reshape3A_534 : vector<8x256xf32> to vector<1x8x256xf32>
      tpu.vector_store %arg16[%swap3A_538, %swap3A_539, %swap3A_540], %swap3A_543 {strides = array<i32>} : memref<128x8x256xf32, #tpu.memory_space<vmem>>, vector<1x8x256xf32>,
      %swap3A_544 = arith.constant 0 : index
      %swap3A_545 = arith.constant 0 : index
      %swap3A_546 = vector.load %arg17[%swap3A_544, %swap3A_545] : memref<8x512xf32, #tpu.memory_space<vmem>>, vector<8x512xf32>
      tpu.vector_store %arg17[%swap3A_544, %swap3A_545], %div3A_444 {strides = array<i32>} : memref<8x512xf32, #tpu.memory_space<vmem>>, vector<8x512xf32>,
      %swap3A_547 = arith.constant 0 : index
      %swap3A_548 = arith.constant 0 : index
      %swap3A_549 = vector.load %arg18[%swap3A_547, %swap3A_548] : memref<8x64xf32, #tpu.memory_space<vmem>>, vector<8x64xf32>
      tpu.vector_store %arg18[%swap3A_547, %swap3A_548], %logistic3A_369 {strides = array<i32>} : memref<8x64xf32, #tpu.memory_space<vmem>>, vector<8x64xf32>,
      %swap3A_550 = arith.constant 0 : index
      %swap3A_551 = arith.constant 0 : index
      %swap3A_552 = vector.load %arg19[%swap3A_550, %swap3A_551] : memref<8x64xf32, #tpu.memory_space<vmem>>, vector<8x64xf32>
      tpu.vector_store %arg19[%swap3A_550, %swap3A_551], %slice3A_362 {strides = array<i32>} : memref<8x64xf32, #tpu.memory_space<vmem>>, vector<8x64xf32>,
    }
    %scan3A_61 = arith.constant 128 : i32
    %get3A_62 = arith.constant 0 : index
    %get3A_63 = arith.constant 0 : index
    %get3A_64 = vector.load %arg6[%get3A_62, %get3A_63] : memref<128x128xf32, #tpu.memory_space<vmem>>, vector<128x128xf32>
    %get3A_65 = arith.constant 0 : index
    %get3A_66 = arith.constant 0 : index
    %get3A_67 = vector.load %arg7[%get3A_65, %get3A_66] : memref<128x256xf32, #tpu.memory_space<vmem>>, vector<128x256xf32>
    %get3A_68 = arith.constant 0 : index
    %get3A_69 = arith.constant 0 : index
    %get3A_70 = vector.load %arg8[%get3A_68, %get3A_69] : memref<1000x128xf32, #tpu.memory_space<vmem>>, vector<1000x128xf32>
    %get3A_71 = arith.constant 0 : index
    %get3A_72 = arith.constant 0 : index
    %get3A_73 = vector.load %arg9[%get3A_71, %get3A_72] : memref<1000x1xf32, #tpu.memory_space<vmem>>, vector<1000x1xf32>
    %get3A_74 = arith.constant 0 : index
    %get3A_75 = arith.constant 0 : index
    %get3A_76 = arith.constant 0 : index
    %get3A_77 = vector.load %arg15[%get3A_74, %get3A_75, %get3A_76] : memref<128x8x128xf32, #tpu.memory_space<vmem>>, vector<128x1x128xf32>
    %get3A_78 = vector.shape_cast %get3A_77 : vector<128x1x128xf32> to vector<128x128xf32>
    %dot_general3A_79 = arith.constant dense<0.000000e+00> : vector<128x128xf32>
    %dot_general3A_80 = tpu.matmul %get3A_78, %get3A_64, %dot_general3A_79 {dimension_numbers = #tpu.dot_dimension_numbers<[1], [1], [0], [0], [0, 0, 1, 0], [], []>, transpose_lhs_hint = false} : vector<128x128xf32>, vector<128x128xf32>, vector<128x128xf32> -> vector<128x128xf32>
    %get3A_81 = arith.constant 0 : index
    %get3A_82 = arith.constant 0 : index
    %get3A_83 = arith.constant 0 : index
    %get3A_84 = vector.load %arg16[%get3A_81, %get3A_82, %get3A_83] : memref<128x8x256xf32, #tpu.memory_space<vmem>>, vector<128x1x256xf32>
    %get3A_85 = vector.shape_cast %get3A_84 : vector<128x1x256xf32> to vector<128x256xf32>
    %dot_general3A_86 = arith.constant dense<0.000000e+00> : vector<128x128xf32>
    %dot_general3A_87 = tpu.matmul %get3A_85, %get3A_67, %dot_general3A_86 {dimension_numbers = #tpu.dot_dimension_numbers<[1], [1], [0], [0], [0, 0, 1, 0], [], []>, transpose_lhs_hint = false} : vector<128x256xf32>, vector<128x256xf32>, vector<128x128xf32> -> vector<128x128xf32>
    %add3A = arith.addf %dot_general3A_80, %dot_general3A_87 : vector<128x128xf32>
    %dot_general3A_88 = arith.constant dense<0.000000e+00> : vector<1000x128xf32>
    %dot_general3A_89 = tpu.matmul %get3A_70, %add3A, %dot_general3A_88 {dimension_numbers = #tpu.dot_dimension_numbers<[1], [1], [0], [0], [0, 0, 1, 0], [], []>, transpose_lhs_hint = false} : vector<1000x128xf32>, vector<128x128xf32>, vector<1000x128xf32> -> vector<1000x128xf32>
    %add3A_90 = vector.broadcast %get3A_73 : vector<1000x1xf32> to vector<1000x128xf32>
    %add3A_91 = arith.addf %dot_general3A_89, %add3A_90 : vector<1000x128xf32>
    %swap3A_92 = arith.constant 0 : index
    %swap3A_93 = arith.constant 0 : index
    %swap3A_94 = arith.constant 0 : index
    %swap3A_95 = vector.load %arg10[%swap3A_92, %swap3A_93, %swap3A_94] : memref<8x1000x128xf32, #tpu.memory_space<vmem>>, vector<1x1000x128xf32>
    %swap3A_96 = vector.shape_cast %swap3A_95 : vector<1x1000x128xf32> to vector<1000x128xf32>
    %swap3A_97 = vector.shape_cast %add3A_91 : vector<1000x128xf32> to vector<1x1000x128xf32>
    tpu.vector_store %arg10[%swap3A_92, %swap3A_93, %swap3A_94], %swap3A_97 {strides = array<i32>} : memref<8x1000x128xf32, #tpu.memory_space<vmem>>, vector<1x1000x128xf32>,
    %get3A_98 = arith.constant 0 : index
    %get3A_99 = arith.constant 1 : index
    %get3A_100 = arith.constant 0 : index
    %get3A_101 = vector.load %arg15[%get3A_98, %get3A_99, %get3A_100] : memref<128x8x128xf32, #tpu.memory_space<vmem>>, vector<128x1x128xf32>
    %get3A_102 = vector.shape_cast %get3A_101 : vector<128x1x128xf32> to vector<128x128xf32>
    %dot_general3A_103 = arith.constant dense<0.000000e+00> : vector<128x128xf32>
    %dot_general3A_104 = tpu.matmul %get3A_102, %get3A_64, %dot_general3A_103 {dimension_numbers = #tpu.dot_dimension_numbers<[1], [1], [0], [0], [0, 0, 1, 0], [], []>, transpose_lhs_hint = false} : vector<128x128xf32>, vector<128x128xf32>, vector<128x128xf32> -> vector<128x128xf32>
    %get3A_105 = arith.constant 0 : index
    %get3A_106 = arith.constant 1 : index
    %get3A_107 = arith.constant 0 : index
    %get3A_108 = vector.load %arg16[%get3A_105, %get3A_106, %get3A_107] : memref<128x8x256xf32, #tpu.memory_space<vmem>>, vector<128x1x256xf32>
    %get3A_109 = vector.shape_cast %get3A_108 : vector<128x1x256xf32> to vector<128x256xf32>
    %dot_general3A_110 = arith.constant dense<0.000000e+00> : vector<128x128xf32>
    %dot_general3A_111 = tpu.matmul %get3A_109, %get3A_67, %dot_general3A_110 {dimension_numbers = #tpu.dot_dimension_numbers<[1], [1], [0], [0], [0, 0, 1, 0], [], []>, transpose_lhs_hint = false} : vector<128x256xf32>, vector<128x256xf32>, vector<128x128xf32> -> vector<128x128xf32>
    %add3A_112 = arith.addf %dot_general3A_104, %dot_general3A_111 : vector<128x128xf32>
    %dot_general3A_113 = arith.constant dense<0.000000e+00> : vector<1000x128xf32>
    %dot_general3A_114 = tpu.matmul %get3A_70, %add3A_112, %dot_general3A_113 {dimension_numbers = #tpu.dot_dimension_numbers<[1], [1], [0], [0], [0, 0, 1, 0], [], []>, transpose_lhs_hint = false} : vector<1000x128xf32>, vector<128x128xf32>, vector<1000x128xf32> -> vector<1000x128xf32>
    %add3A_115 = vector.broadcast %get3A_73 : vector<1000x1xf32> to vector<1000x128xf32>
    %add3A_116 = arith.addf %dot_general3A_114, %add3A_115 : vector<1000x128xf32>
    %swap3A_117 = arith.constant 1 : index
    %swap3A_118 = arith.constant 0 : index
    %swap3A_119 = arith.constant 0 : index
    %swap3A_120 = vector.load %arg10[%swap3A_117, %swap3A_118, %swap3A_119] : memref<8x1000x128xf32, #tpu.memory_space<vmem>>, vector<1x1000x128xf32>
    %swap3A_121 = vector.shape_cast %swap3A_120 : vector<1x1000x128xf32> to vector<1000x128xf32>
    %swap3A_122 = vector.shape_cast %add3A_116 : vector<1000x128xf32> to vector<1x1000x128xf32>
    tpu.vector_store %arg10[%swap3A_117, %swap3A_118, %swap3A_119], %swap3A_122 {strides = array<i32>} : memref<8x1000x128xf32, #tpu.memory_space<vmem>>, vector<1x1000x128xf32>,
    %get3A_123 = arith.constant 0 : index
    %get3A_124 = arith.constant 2 : index
    %get3A_125 = arith.constant 0 : index
    %get3A_126 = vector.load %arg15[%get3A_123, %get3A_124, %get3A_125] : memref<128x8x128xf32, #tpu.memory_space<vmem>>, vector<128x1x128xf32>
    %get3A_127 = vector.shape_cast %get3A_126 : vector<128x1x128xf32> to vector<128x128xf32>
    %dot_general3A_128 = arith.constant dense<0.000000e+00> : vector<128x128xf32>
    %dot_general3A_129 = tpu.matmul %get3A_127, %get3A_64, %dot_general3A_128 {dimension_numbers = #tpu.dot_dimension_numbers<[1], [1], [0], [0], [0, 0, 1, 0], [], []>, transpose_lhs_hint = false} : vector<128x128xf32>, vector<128x128xf32>, vector<128x128xf32> -> vector<128x128xf32>
    %get3A_130 = arith.constant 0 : index
    %get3A_131 = arith.constant 2 : index
    %get3A_132 = arith.constant 0 : index
    %get3A_133 = vector.load %arg16[%get3A_130, %get3A_131, %get3A_132] : memref<128x8x256xf32, #tpu.memory_space<vmem>>, vector<128x1x256xf32>
    %get3A_134 = vector.shape_cast %get3A_133 : vector<128x1x256xf32> to vector<128x256xf32>
    %dot_general3A_135 = arith.constant dense<0.000000e+00> : vector<128x128xf32>
    %dot_general3A_136 = tpu.matmul %get3A_134, %get3A_67, %dot_general3A_135 {dimension_numbers = #tpu.dot_dimension_numbers<[1], [1], [0], [0], [0, 0, 1, 0], [], []>, transpose_lhs_hint = false} : vector<128x256xf32>, vector<128x256xf32>, vector<128x128xf32> -> vector<128x128xf32>
    %add3A_137 = arith.addf %dot_general3A_129, %dot_general3A_136 : vector<128x128xf32>
    %dot_general3A_138 = arith.constant dense<0.000000e+00> : vector<1000x128xf32>
    %dot_general3A_139 = tpu.matmul %get3A_70, %add3A_137, %dot_general3A_138 {dimension_numbers = #tpu.dot_dimension_numbers<[1], [1], [0], [0], [0, 0, 1, 0], [], []>, transpose_lhs_hint = false} : vector<1000x128xf32>, vector<128x128xf32>, vector<1000x128xf32> -> vector<1000x128xf32>
    %add3A_140 = vector.broadcast %get3A_73 : vector<1000x1xf32> to vector<1000x128xf32>
    %add3A_141 = arith.addf %dot_general3A_139, %add3A_140 : vector<1000x128xf32>
    %swap3A_142 = arith.constant 2 : index
    %swap3A_143 = arith.constant 0 : index
    %swap3A_144 = arith.constant 0 : index
    %swap3A_145 = vector.load %arg10[%swap3A_142, %swap3A_143, %swap3A_144] : memref<8x1000x128xf32, #tpu.memory_space<vmem>>, vector<1x1000x128xf32>
    %swap3A_146 = vector.shape_cast %swap3A_145 : vector<1x1000x128xf32> to vector<1000x128xf32>
    %swap3A_147 = vector.shape_cast %add3A_141 : vector<1000x128xf32> to vector<1x1000x128xf32>
    tpu.vector_store %arg10[%swap3A_142, %swap3A_143, %swap3A_144], %swap3A_147 {strides = array<i32>} : memref<8x1000x128xf32, #tpu.memory_space<vmem>>, vector<1x1000x128xf32>,
    %get3A_148 = arith.constant 0 : index
    %get3A_149 = arith.constant 3 : index
    %get3A_150 = arith.constant 0 : index
    %get3A_151 = vector.load %arg15[%get3A_148, %get3A_149, %get3A_150] : memref<128x8x128xf32, #tpu.memory_space<vmem>>, vector<128x1x128xf32>
    %get3A_152 = vector.shape_cast %get3A_151 : vector<128x1x128xf32> to vector<128x128xf32>
    %dot_general3A_153 = arith.constant dense<0.000000e+00> : vector<128x128xf32>
    %dot_general3A_154 = tpu.matmul %get3A_152, %get3A_64, %dot_general3A_153 {dimension_numbers = #tpu.dot_dimension_numbers<[1], [1], [0], [0], [0, 0, 1, 0], [], []>, transpose_lhs_hint = false} : vector<128x128xf32>, vector<128x128xf32>, vector<128x128xf32> -> vector<128x128xf32>
    %get3A_155 = arith.constant 0 : index
    %get3A_156 = arith.constant 3 : index
    %get3A_157 = arith.constant 0 : index
    %get3A_158 = vector.load %arg16[%get3A_155, %get3A_156, %get3A_157] : memref<128x8x256xf32, #tpu.memory_space<vmem>>, vector<128x1x256xf32>
    %get3A_159 = vector.shape_cast %get3A_158 : vector<128x1x256xf32> to vector<128x256xf32>
    %dot_general3A_160 = arith.constant dense<0.000000e+00> : vector<128x128xf32>
    %dot_general3A_161 = tpu.matmul %get3A_159, %get3A_67, %dot_general3A_160 {dimension_numbers = #tpu.dot_dimension_numbers<[1], [1], [0], [0], [0, 0, 1, 0], [], []>, transpose_lhs_hint = false} : vector<128x256xf32>, vector<128x256xf32>, vector<128x128xf32> -> vector<128x128xf32>
    %add3A_162 = arith.addf %dot_general3A_154, %dot_general3A_161 : vector<128x128xf32>
    %dot_general3A_163 = arith.constant dense<0.000000e+00> : vector<1000x128xf32>
    %dot_general3A_164 = tpu.matmul %get3A_70, %add3A_162, %dot_general3A_163 {dimension_numbers = #tpu.dot_dimension_numbers<[1], [1], [0], [0], [0, 0, 1, 0], [], []>, transpose_lhs_hint = false} : vector<1000x128xf32>, vector<128x128xf32>, vector<1000x128xf32> -> vector<1000x128xf32>
    %add3A_165 = vector.broadcast %get3A_73 : vector<1000x1xf32> to vector<1000x128xf32>
    %add3A_166 = arith.addf %dot_general3A_164, %add3A_165 : vector<1000x128xf32>
    %swap3A_167 = arith.constant 3 : index
    %swap3A_168 = arith.constant 0 : index
    %swap3A_169 = arith.constant 0 : index
    %swap3A_170 = vector.load %arg10[%swap3A_167, %swap3A_168, %swap3A_169] : memref<8x1000x128xf32, #tpu.memory_space<vmem>>, vector<1x1000x128xf32>
    %swap3A_171 = vector.shape_cast %swap3A_170 : vector<1x1000x128xf32> to vector<1000x128xf32>
    %swap3A_172 = vector.shape_cast %add3A_166 : vector<1000x128xf32> to vector<1x1000x128xf32>
    tpu.vector_store %arg10[%swap3A_167, %swap3A_168, %swap3A_169], %swap3A_172 {strides = array<i32>} : memref<8x1000x128xf32, #tpu.memory_space<vmem>>, vector<1x1000x128xf32>,
    %get3A_173 = arith.constant 0 : index
    %get3A_174 = arith.constant 4 : index
    %get3A_175 = arith.constant 0 : index
    %get3A_176 = vector.load %arg15[%get3A_173, %get3A_174, %get3A_175] : memref<128x8x128xf32, #tpu.memory_space<vmem>>, vector<128x1x128xf32>
    %get3A_177 = vector.shape_cast %get3A_176 : vector<128x1x128xf32> to vector<128x128xf32>
    %dot_general3A_178 = arith.constant dense<0.000000e+00> : vector<128x128xf32>
    %dot_general3A_179 = tpu.matmul %get3A_177, %get3A_64, %dot_general3A_178 {dimension_numbers = #tpu.dot_dimension_numbers<[1], [1], [0], [0], [0, 0, 1, 0], [], []>, transpose_lhs_hint = false} : vector<128x128xf32>, vector<128x128xf32>, vector<128x128xf32> -> vector<128x128xf32>
    %get3A_180 = arith.constant 0 : index
    %get3A_181 = arith.constant 4 : index
    %get3A_182 = arith.constant 0 : index
    %get3A_183 = vector.load %arg16[%get3A_180, %get3A_181, %get3A_182] : memref<128x8x256xf32, #tpu.memory_space<vmem>>, vector<128x1x256xf32>
    %get3A_184 = vector.shape_cast %get3A_183 : vector<128x1x256xf32> to vector<128x256xf32>
    %dot_general3A_185 = arith.constant dense<0.000000e+00> : vector<128x128xf32>
    %dot_general3A_186 = tpu.matmul %get3A_184, %get3A_67, %dot_general3A_185 {dimension_numbers = #tpu.dot_dimension_numbers<[1], [1], [0], [0], [0, 0, 1, 0], [], []>, transpose_lhs_hint = false} : vector<128x256xf32>, vector<128x256xf32>, vector<128x128xf32> -> vector<128x128xf32>
    %add3A_187 = arith.addf %dot_general3A_179, %dot_general3A_186 : vector<128x128xf32>
    %dot_general3A_188 = arith.constant dense<0.000000e+00> : vector<1000x128xf32>
    %dot_general3A_189 = tpu.matmul %get3A_70, %add3A_187, %dot_general3A_188 {dimension_numbers = #tpu.dot_dimension_numbers<[1], [1], [0], [0], [0, 0, 1, 0], [], []>, transpose_lhs_hint = false} : vector<1000x128xf32>, vector<128x128xf32>, vector<1000x128xf32> -> vector<1000x128xf32>
    %add3A_190 = vector.broadcast %get3A_73 : vector<1000x1xf32> to vector<1000x128xf32>
    %add3A_191 = arith.addf %dot_general3A_189, %add3A_190 : vector<1000x128xf32>
    %swap3A_192 = arith.constant 4 : index
    %swap3A_193 = arith.constant 0 : index
    %swap3A_194 = arith.constant 0 : index
    %swap3A_195 = vector.load %arg10[%swap3A_192, %swap3A_193, %swap3A_194] : memref<8x1000x128xf32, #tpu.memory_space<vmem>>, vector<1x1000x128xf32>
    %swap3A_196 = vector.shape_cast %swap3A_195 : vector<1x1000x128xf32> to vector<1000x128xf32>
    %swap3A_197 = vector.shape_cast %add3A_191 : vector<1000x128xf32> to vector<1x1000x128xf32>
    tpu.vector_store %arg10[%swap3A_192, %swap3A_193, %swap3A_194], %swap3A_197 {strides = array<i32>} : memref<8x1000x128xf32, #tpu.memory_space<vmem>>, vector<1x1000x128xf32>,
    %get3A_198 = arith.constant 0 : index
    %get3A_199 = arith.constant 5 : index
    %get3A_200 = arith.constant 0 : index
    %get3A_201 = vector.load %arg15[%get3A_198, %get3A_199, %get3A_200] : memref<128x8x128xf32, #tpu.memory_space<vmem>>, vector<128x1x128xf32>
    %get3A_202 = vector.shape_cast %get3A_201 : vector<128x1x128xf32> to vector<128x128xf32>
    %dot_general3A_203 = arith.constant dense<0.000000e+00> : vector<128x128xf32>
    %dot_general3A_204 = tpu.matmul %get3A_202, %get3A_64, %dot_general3A_203 {dimension_numbers = #tpu.dot_dimension_numbers<[1], [1], [0], [0], [0, 0, 1, 0], [], []>, transpose_lhs_hint = false} : vector<128x128xf32>, vector<128x128xf32>, vector<128x128xf32> -> vector<128x128xf32>
    %get3A_205 = arith.constant 0 : index
    %get3A_206 = arith.constant 5 : index
    %get3A_207 = arith.constant 0 : index
    %get3A_208 = vector.load %arg16[%get3A_205, %get3A_206, %get3A_207] : memref<128x8x256xf32, #tpu.memory_space<vmem>>, vector<128x1x256xf32>
    %get3A_209 = vector.shape_cast %get3A_208 : vector<128x1x256xf32> to vector<128x256xf32>
    %dot_general3A_210 = arith.constant dense<0.000000e+00> : vector<128x128xf32>
    %dot_general3A_211 = tpu.matmul %get3A_209, %get3A_67, %dot_general3A_210 {dimension_numbers = #tpu.dot_dimension_numbers<[1], [1], [0], [0], [0, 0, 1, 0], [], []>, transpose_lhs_hint = false} : vector<128x256xf32>, vector<128x256xf32>, vector<128x128xf32> -> vector<128x128xf32>
    %add3A_212 = arith.addf %dot_general3A_204, %dot_general3A_211 : vector<128x128xf32>
    %dot_general3A_213 = arith.constant dense<0.000000e+00> : vector<1000x128xf32>
    %dot_general3A_214 = tpu.matmul %get3A_70, %add3A_212, %dot_general3A_213 {dimension_numbers = #tpu.dot_dimension_numbers<[1], [1], [0], [0], [0, 0, 1, 0], [], []>, transpose_lhs_hint = false} : vector<1000x128xf32>, vector<128x128xf32>, vector<1000x128xf32> -> vector<1000x128xf32>
    %add3A_215 = vector.broadcast %get3A_73 : vector<1000x1xf32> to vector<1000x128xf32>
    %add3A_216 = arith.addf %dot_general3A_214, %add3A_215 : vector<1000x128xf32>
    %swap3A_217 = arith.constant 5 : index
    %swap3A_218 = arith.constant 0 : index
    %swap3A_219 = arith.constant 0 : index
    %swap3A_220 = vector.load %arg10[%swap3A_217, %swap3A_218, %swap3A_219] : memref<8x1000x128xf32, #tpu.memory_space<vmem>>, vector<1x1000x128xf32>
    %swap3A_221 = vector.shape_cast %swap3A_220 : vector<1x1000x128xf32> to vector<1000x128xf32>
    %swap3A_222 = vector.shape_cast %add3A_216 : vector<1000x128xf32> to vector<1x1000x128xf32>
    tpu.vector_store %arg10[%swap3A_217, %swap3A_218, %swap3A_219], %swap3A_222 {strides = array<i32>} : memref<8x1000x128xf32, #tpu.memory_space<vmem>>, vector<1x1000x128xf32>,
    %get3A_223 = arith.constant 0 : index
    %get3A_224 = arith.constant 6 : index
    %get3A_225 = arith.constant 0 : index
    %get3A_226 = vector.load %arg15[%get3A_223, %get3A_224, %get3A_225] : memref<128x8x128xf32, #tpu.memory_space<vmem>>, vector<128x1x128xf32>
    %get3A_227 = vector.shape_cast %get3A_226 : vector<128x1x128xf32> to vector<128x128xf32>
    %dot_general3A_228 = arith.constant dense<0.000000e+00> : vector<128x128xf32>
    %dot_general3A_229 = tpu.matmul %get3A_227, %get3A_64, %dot_general3A_228 {dimension_numbers = #tpu.dot_dimension_numbers<[1], [1], [0], [0], [0, 0, 1, 0], [], []>, transpose_lhs_hint = false} : vector<128x128xf32>, vector<128x128xf32>, vector<128x128xf32> -> vector<128x128xf32>
    %get3A_230 = arith.constant 0 : index
    %get3A_231 = arith.constant 6 : index
    %get3A_232 = arith.constant 0 : index
    %get3A_233 = vector.load %arg16[%get3A_230, %get3A_231, %get3A_232] : memref<128x8x256xf32, #tpu.memory_space<vmem>>, vector<128x1x256xf32>
    %get3A_234 = vector.shape_cast %get3A_233 : vector<128x1x256xf32> to vector<128x256xf32>
    %dot_general3A_235 = arith.constant dense<0.000000e+00> : vector<128x128xf32>
    %dot_general3A_236 = tpu.matmul %get3A_234, %get3A_67, %dot_general3A_235 {dimension_numbers = #tpu.dot_dimension_numbers<[1], [1], [0], [0], [0, 0, 1, 0], [], []>, transpose_lhs_hint = false} : vector<128x256xf32>, vector<128x256xf32>, vector<128x128xf32> -> vector<128x128xf32>
    %add3A_237 = arith.addf %dot_general3A_229, %dot_general3A_236 : vector<128x128xf32>
    %dot_general3A_238 = arith.constant dense<0.000000e+00> : vector<1000x128xf32>
    %dot_general3A_239 = tpu.matmul %get3A_70, %add3A_237, %dot_general3A_238 {dimension_numbers = #tpu.dot_dimension_numbers<[1], [1], [0], [0], [0, 0, 1, 0], [], []>, transpose_lhs_hint = false} : vector<1000x128xf32>, vector<128x128xf32>, vector<1000x128xf32> -> vector<1000x128xf32>
    %add3A_240 = vector.broadcast %get3A_73 : vector<1000x1xf32> to vector<1000x128xf32>
    %add3A_241 = arith.addf %dot_general3A_239, %add3A_240 : vector<1000x128xf32>
    %swap3A_242 = arith.constant 6 : index
    %swap3A_243 = arith.constant 0 : index
    %swap3A_244 = arith.constant 0 : index
    %swap3A_245 = vector.load %arg10[%swap3A_242, %swap3A_243, %swap3A_244] : memref<8x1000x128xf32, #tpu.memory_space<vmem>>, vector<1x1000x128xf32>
    %swap3A_246 = vector.shape_cast %swap3A_245 : vector<1x1000x128xf32> to vector<1000x128xf32>
    %swap3A_247 = vector.shape_cast %add3A_241 : vector<1000x128xf32> to vector<1x1000x128xf32>
    tpu.vector_store %arg10[%swap3A_242, %swap3A_243, %swap3A_244], %swap3A_247 {strides = array<i32>} : memref<8x1000x128xf32, #tpu.memory_space<vmem>>, vector<1x1000x128xf32>,
    %get3A_248 = arith.constant 0 : index
    %get3A_249 = arith.constant 7 : index
    %get3A_250 = arith.constant 0 : index
    %get3A_251 = vector.load %arg15[%get3A_248, %get3A_249, %get3A_250] : memref<128x8x128xf32, #tpu.memory_space<vmem>>, vector<128x1x128xf32>
    %get3A_252 = vector.shape_cast %get3A_251 : vector<128x1x128xf32> to vector<128x128xf32>
    %dot_general3A_253 = arith.constant dense<0.000000e+00> : vector<128x128xf32>
    %dot_general3A_254 = tpu.matmul %get3A_252, %get3A_64, %dot_general3A_253 {dimension_numbers = #tpu.dot_dimension_numbers<[1], [1], [0], [0], [0, 0, 1, 0], [], []>, transpose_lhs_hint = false} : vector<128x128xf32>, vector<128x128xf32>, vector<128x128xf32> -> vector<128x128xf32>
    %get3A_255 = arith.constant 0 : index
    %get3A_256 = arith.constant 7 : index
    %get3A_257 = arith.constant 0 : index
    %get3A_258 = vector.load %arg16[%get3A_255, %get3A_256, %get3A_257] : memref<128x8x256xf32, #tpu.memory_space<vmem>>, vector<128x1x256xf32>
    %get3A_259 = vector.shape_cast %get3A_258 : vector<128x1x256xf32> to vector<128x256xf32>
    %dot_general3A_260 = arith.constant dense<0.000000e+00> : vector<128x128xf32>
    %dot_general3A_261 = tpu.matmul %get3A_259, %get3A_67, %dot_general3A_260 {dimension_numbers = #tpu.dot_dimension_numbers<[1], [1], [0], [0], [0, 0, 1, 0], [], []>, transpose_lhs_hint = false} : vector<128x256xf32>, vector<128x256xf32>, vector<128x128xf32> -> vector<128x128xf32>
    %add3A_262 = arith.addf %dot_general3A_254, %dot_general3A_261 : vector<128x128xf32>
    %dot_general3A_263 = arith.constant dense<0.000000e+00> : vector<1000x128xf32>
    %dot_general3A_264 = tpu.matmul %get3A_70, %add3A_262, %dot_general3A_263 {dimension_numbers = #tpu.dot_dimension_numbers<[1], [1], [0], [0], [0, 0, 1, 0], [], []>, transpose_lhs_hint = false} : vector<1000x128xf32>, vector<128x128xf32>, vector<1000x128xf32> -> vector<1000x128xf32>
    %add3A_265 = vector.broadcast %get3A_73 : vector<1000x1xf32> to vector<1000x128xf32>
    %add3A_266 = arith.addf %dot_general3A_264, %add3A_265 : vector<1000x128xf32>
    %swap3A_267 = arith.constant 7 : index
    %swap3A_268 = arith.constant 0 : index
    %swap3A_269 = arith.constant 0 : index
    %swap3A_270 = vector.load %arg10[%swap3A_267, %swap3A_268, %swap3A_269] : memref<8x1000x128xf32, #tpu.memory_space<vmem>>, vector<1x1000x128xf32>
    %swap3A_271 = vector.shape_cast %swap3A_270 : vector<1x1000x128xf32> to vector<1000x128xf32>
    %swap3A_272 = vector.shape_cast %add3A_266 : vector<1000x128xf32> to vector<1x1000x128xf32>
    tpu.vector_store %arg10[%swap3A_267, %swap3A_268, %swap3A_269], %swap3A_272 {strides = array<i32>} : memref<8x1000x128xf32, #tpu.memory_space<vmem>>, vector<1x1000x128xf32>,
    return
  }
}

</mosaic_0001>

<sc_bundles>
// kernel: kernel.4.cloned.1.call-start
scs
__scs_entry_jumppad:
0x0: {  	(pc) =	sbr.rel $0x88, $3  }
0x1: {  	(tag) =	ssettag $0x0;
	lr =	simm.s32 $0x1  }
0x2: {  	[smem:$0x3F96] =	sst lr;
	_ =	strace $0xD0000000  }
0x3: {  	_ = 	snop  }
0x4: {  	_ = 	snop  }
0x5: {  	_ = 	snop  }
0x6: {  	_ = 	snop  }
0x7: {  	_ = 	snop  }
__scs_overlays_trampoline_lowered:
0x8: {  	[smem:$0x3FA5] =	sst s0  }
0x9: {  	[smem:$0x3FA6] =	sst s1  }
0xa: {  	[smem:$0x3FA7] =	sst s2  }
0xb: {  	[smem:$0x3FA8] =	sst s3  }
0xc: {  	[smem:$0x3FA9] =	sst s4  }
0xd: {  	[smem:$0x3FAA] =	sst s5  }
0xe: {  	[smem:$0x3FAB] =	sst s6  }
0xf: {  	[smem:$0x3FAC] =	sst s7  }
0x10: {  	[smem:$0x3FAD] =	sst s8  }
0x11: {  	[smem:$0x3FAE] =	sst s9;
	s0 =	simm.s32 @!p0 $0x0  }
0x12: {  	s1 =	sld [smem:$0x3F94];
	s0 =	simm.s32 @p0 $0x1  }
0x13: {  	[smem:$0x3FAF] =	sst s0;
	s0 =	simm.s32 @!p1 $0x0  }
0x14: {  	s2 =	sld [smem:$0x3F93];
	s0 =	simm.s32 @p1 $0x1  }
0x15: {  	[smem:$0x3FB0] =	sst s0;
	s0 =	simm.s32 @!p2 $0x0  }
0x16: {  	s3 =	sld [smem:$0x3FDB];
	s0 =	simm.s32 @p2 $0x1  }
0x17: {  	s4 =	simm.s32 $0x1BF5;
	[smem:$0x3FB2] =	sst s0  }
0x18: {  	s0 =	sld [smem:$0x3F95];
	_ =	swait.ge [sflag:s4], $0x0  }
0x19: {  	s7 =	sld [smem:$0x3F96]  }
0x1a: {  	s8 =	sadd.s32 $0xFFFFE003, lr  }
0x1b: {  	s9 =	sadd.s32 $0xFFFFFEF7, lr;
	s5 =	simm.s32 $0xFFFFFFFF;
	p2 =	slt.u32 s8, $0xFFFFF086  }
0x1c: {  	p1 =	slt.u32 s9, $0xF7A;
	s5 =	simm.s32 @!p2 $0x0  }
0x1d: {  	s5 =	simm.s32 @p1 $0x1;
	p0 =	seq.s32 s7, s2  }
0x1e: {  	s7 =	smul.u32 @!p0 $0xF7A, s2;
	p2 =	seq.s32 @!p0 s5, $0x0  }
0x1f: {  	s9 =	smul.u32 $0xF7A, s1;
	s8 =	simm.s32 @!p0 $0x1BF5;
	p2 =	por !p2, p0  }
0x20: {  	[sflag:s8] =	ssyncset.s32 @!p0 $0xFFFFF086;
	s6 =	sadd.s32 @!p0 s3, s7;
	s7 =	simm.s32 @!p0 $0x108  }
0x21: {  	s3 =	sadd.s32 s3, s9;
	s6 =	sadd.s32 @!p0 $0x88, s6;
	s7 =	simm.s32 @p2 $0x1082  }
0x22: {  	[simem:s7], [sflag:s8] =	dma.local @!p0 [hbm:s6], $0xF7A  }
0x23: {  	s9 =	sor.u32 $0xD0000000, s2;
	s6 =	simm.s32 $0x108;
	_ =	swait.ge @!p0 [sflag:s8], $0x0  }
0x24: {  	s3 =	sadd.s32 $0x88, s3;
	s6 =	simm.s32 @!p1 $0x1082;
	[sflag:s4] =	ssyncset.s32 $0xFFFFF086  }
0x25: {  	[simem:s6], [sflag:s4] =	dma.local [hbm:s3], $0xF7A  }
0x26: {  	[smem:$0x3F96] =	sst s1;
	(tag) =	ssettag s2;
	_ =	strace s9  }
0x27: {  	s1 =	sld [smem:$0x3FA6]  }
0x28: {  	s2 =	sld [smem:$0x3FA7]  }
0x29: {  	s4 =	sld [smem:$0x3FA9]  }
0x2a: {  	p0 =	seq.s32 s5, $0x0;
	s5 =	sld [smem:$0x3FAA]  }
0x2b: {  	s6 =	sld [smem:$0x3FAB]  }
0x2c: {  	s7 =	sld [smem:$0x3FAC]  }
0x2d: {  	s3 =	simm.s32 $0x108;
	s8 =	sld [smem:$0x3FAD]  }
0x2e: {  	s3 =	simm.s32 @!p0 $0x1082;
	s9 =	sld [smem:$0x3FAE]  }
0x2f: {  	lr =	sadd.s32 s0, s3;
	s0 =	sld [smem:$0x3FA5]  }
0x30: {  	s3 =	sld [smem:$0x3FA8]  }
0x31: {  	[smem:$0x3FB1] =	sst s10  }
0x32: {  	s10 =	sld [smem:$0x3FAF];
	_ =	sdelay $0x3  }
0x33: {  	p0 =	seq.s32 s10, $0x1;
	s10 =	sld [smem:$0x3FB1];
	_ =	sdelay $0x3  }
0x34: {  	[smem:$0x3FB1] =	sst s10  }
0x35: {  	s10 =	sld [smem:$0x3FB0];
	_ =	sdelay $0x3  }
0x36: {  	p1 =	seq.s32 s10, $0x1;
	s10 =	sld [smem:$0x3FB1];
	_ =	sdelay $0x3  }
0x37: {  	[smem:$0x3FB1] =	sst s10  }
0x38: {  	s10 =	sld [smem:$0x3FB2]  }
0x39: {  	_ = 	snop;
	(pc) =	sbr.ind lr, $3  }
0x3a: {  	_ = 	snop  }
0x3b: {  	_ = 	snop  }
0x3c: {  	p2 =	seq.s32 s10, $0x1;
	s10 =	sld [smem:$0x3FB1]  }
0x3d: {  	_ =	shalt  }
0x3e: {  	_ =	shalt  }
0x3f: {  	_ =	shalt  }
0x40: {  	_ =	shalt  }
0x41: {  	_ =	shalt  }
0x42: {  	_ =	shalt  }
0x43: {  	_ =	shalt  }
0x44: {  	_ =	shalt  }
0x45: {  	_ =	shalt  }
0x46: {  	_ =	shalt  }
0x47: {  	_ =	shalt  }
0x48: {  	_ =	shalt  }
0x49: {  	_ =	shalt  }
0x4a: {  	_ =	shalt  }
0x4b: {  	_ =	shalt  }
0x4c: {  	_ =	shalt  }
0x4d: {  	_ =	shalt  }
0x4e: {  	_ =	shalt  }
0x4f: {  	_ =	shalt  }
0x50: {  	_ =	shalt  }
0x51: {  	_ =	shalt  }
0x52: {  	_ =	shalt  }
0x53: {  	_ =	shalt  }
0x54: {  	_ =	shalt  }
0x55: {  	_ =	shalt  }
0x56: {  	_ =	shalt  }
0x57: {  	_ =	shalt  }
0x58: {  	_ =	shalt  }
0x59: {  	_ =	shalt  }
0x5a: {  	_ =	shalt  }
0x5b: {  	_ =	shalt  }
0x5c: {  	_ =	shalt  }
0x5d: {  	_ =	shalt  }
0x5e: {  	_ =	shalt  }
0x5f: {  	_ =	shalt  }
0x60: {  	_ =	shalt  }
0x61: {  	_ =	shalt  }
0x62: {  	_ =	shalt  }
0x63: {  	_ =	shalt  }
0x64: {  	_ =	shalt  }
0x65: {  	_ =	shalt  }
0x66: {  	_ =	shalt  }
0x67: {  	_ =	shalt  }
0x68: {  	_ =	shalt  }
0x69: {  	_ =	shalt  }
0x6a: {  	_ =	shalt  }
0x6b: {  	_ =	shalt  }
0x6c: {  	_ =	shalt  }
0x6d: {  	_ =	shalt  }
0x6e: {  	_ =	shalt  }
0x6f: {  	_ =	shalt  }
0x70: {  	_ =	shalt  }
0x71: {  	_ =	shalt  }
0x72: {  	_ =	shalt  }
0x73: {  	_ =	shalt  }
0x74: {  	_ =	shalt  }
0x75: {  	_ =	shalt  }
0x76: {  	_ =	shalt  }
0x77: {  	_ =	shalt  }
0x78: {  	_ =	shalt  }
0x79: {  	_ =	shalt  }
0x7a: {  	_ =	shalt  }
0x7b: {  	_ =	shalt  }
0x7c: {  	_ =	shalt  }
0x7d: {  	_ =	shalt  }
0x7e: {  	_ =	shalt  }
0x7f: {  	_ =	shalt  }
0x80: {  	_ =	shalt  }
0x81: {  	_ =	shalt  }
0x82: {  	_ =	shalt  }
0x83: {  	_ =	shalt  }
0x84: {  	_ =	shalt  }
0x85: {  	_ =	shalt  }
0x86: {  	_ =	shalt  }
0x87: {  	_ =	shalt  }
.Lfunc_end0:
.L_simem_size_0:
called_computation_lowered:
.L_overlay_start_0:
0x88: {  	s2 =	sld [smem:$0x3FD9]  }
0x89: {  	s3 =	sld [smem:$0x3FFE];
	_ =	sdelay $0x1  }
0x8a: {  	s1 =	srdreg.scid  }
0x8b: {  	s0 =	sand.u32 $0x1, s1  }
0x8c: {  	s17 =	sshll.u32 s0, $0xA;
	s2 =	sadd.s32 s3, s2  }
0x8d: {  	s2 =	sadd.s32 s2, s17  }
0x8e: {  	[smem:$0x3FBD] =	sst s2  }
0x8f: {  	_ = 	snop  }
0x90: {  	s2 =	sld [smem:$0x3FC8]  }
0x91: {  	s18 =	sld [smem:$0x3FD0];
	(tm) =	ssettm $0x1  }
0x92: {  	s4 =	sld [smem:$0x3FFB];
	_ =	sdelay $0x3  }
0x93: {  	_ =	strace s4  }
0x94: {  	s4 =	sld [smem:$0x3FFC];
	_ =	sdelay $0x3  }
0x95: {  	_ =	strace s4  }
0x96: {  	s4 =	sld [smem:$0x3FFD];
	_ =	sdelay $0x3  }
0x97: {  	_ =	strace s4  }
0x98: {  	_ =	strace $0x8FFFFFFF  }
0x99: {  	s19 =	sld [smem:$0x3FDB];
	_ =	sdelay $0x1  }
0x9a: {  	s5 =	simm.s32 $_scs_section_size  }
0x9b: {  	s6 =	simm.s32 $_size__tile_overlayer_lowered;
	s7 =	simm.s32 $_tile_overlayer_lowered  }
0x9c: {  	s22 =	simm.s32 $0x1BFF;
	s21 =	sshll.u32 s7, $0x1;
	s4 =	sadd.s32 s5, s19  }
0x9d: {  	s8 =	simm.s32 $0x0;
	s20 =	sshll.u32 s6, $0x1;
	s6 =	sadd.s32 s21, s4  }
0x9e: {  	[timem:s8], [sflag:s22] =	dma.local [hbm:s6], s20  }
0x9f: {  	_ =	swait.ge [sflag:s22], s20  }
0xa0: {  	s5 =	ssub.s32 $0x0, s20;
	[sflag:s22] =	ssyncset.done $0x0  }
0xa1: {  	[sflag:s22] =	ssyncadd.s32 s5;
	_ =	sdelay $0x1  }
0xa2: {  	s23 =	simm.s32 $0x1B8B  }
0xa3: {  	_ =	swait.ge [sflag:s23], $0x1  }
0xa4: {  	[sflag:s23] =	ssyncset.done $0x0  }
0xa5: {  	s25 =	simm.s32 $0x1B8E;
	s24 =	sld [smem:$0x3FFE];
	[sflag:s23] =	ssyncadd.s32 $0xFFFFFFFF  }
0xa6: {  	s26 =	simm.s32 $execute0_lowered;
	[smem:$0x3FD2] =	sst s25  }
0xa7: {  	s6 =	sshll.u32 s26, $0x1;
	_ =	strace $0x80000046;
	[dreg:$0x1] =	wrdreg $0xFFFFFFFF  }
0xa8: {  	s28 =	simm.s32 $_size_execute0_lowered;
	s4 =	sadd.s32 s4, s6;
	[dreg:$0x0] =	wrdreg $0x0  }
0xa9: {  	s6 =	sshll.u32 s28, $0x1;
	[dreg:$0x2] =	wrdreg s4  }
0xaa: {  	[dreg:$0x3] =	wrdreg s6  }
0xab: {  	[dreg:$0x4] =	wrdreg $0xC0  }
0xac: {  	_ =	task [dreg:s8], $0x5FFFF  }
0xad: {  	[dreg:$0x1] =	wrdreg $0xFFFFFFFF  }
0xae: {  	[dreg:$0x0] =	wrdreg $0x60  }
0xaf: {  	[dreg:$0x2] =	wrdreg s2  }
0xb0: {  	[dreg:$0x3] =	wrdreg s24  }
0xb1: {  	[dreg:$0x4] =	wrdreg s18  }
0xb2: {  	[dreg:$0x5] =	wrdreg $0x9  }
0xb3: {  	_ =	task.clear_ibuf [dreg:s8], $0x6FFFF;
	_ =	strace $0x90000046  }
0xb4: {  	s29 =	simm.s32 $0x9;
	_ =	strace $0x80000048  }
0xb5: {  	_ =	swait.ge [sflag:s29], $0x1  }
0xb6: {  	[sflag:s29] =	ssyncadd.s32 $0xFFFFFFFF  }
0xb7: {  	_ =	strace $0x90000048  }
0xb8: {  	_ =	sfence  }
0xb9: {  	s30 =	sld [smem:$0x0];
	_ =	sdelay $0x2  }
0xba: {  	s31 =	sshll.u32 s1, $0xD;
	s1 =	sshrl.u32 s1, $0x2  }
0xbb: {  	s3 =	sand.u32 $0x4000, s31;
	s1 =	sadd.s32 s1, s30  }
0xbc: {  	s0 =	sor.u32 s3, s0;
	s1 =	sshll.u32 s1, $0x11  }
0xbd: {  	s0 =	sor.u32 s1, s0  }
0xbe: {  	s0 =	sadd.s32 $0x8F2B, s0  }
0xbf: {  	[sflag:s0] =	ssyncadd.remote.s32 $0x1  }
0xc0: {  	_ =	sfence.sel $0xFFFF  }
0xc1: {  	[dreg:$0x0] =	wrdreg $0xFFFFFFFF;
	(pc) =	sbr.abs _section_cstart, $3  }
0xc2: {  	[dreg:$0x1] =	wrdreg $0xFFFFFFFF  }
0xc3: {  	_ =	task.clear_ibuf [dreg:s8], $0x2FFFF;
	_ =	strace $0x9FFFFFFF  }
0xc4: {  	(tm) =	ssettm $0x7FFFFFFF  }
0xc5: {  	_ =	shalt  }
tec
execute0_lowered:
.L_overlay_start_1:
0x0: {  	(tag) =	ssettag $0x1  }
0x1: {  	s2 =	srdreg.scid  }
0x2: {  	s1 =	rddreg [dreg:$0x0];
	s0 =	stileid.u32;
	s6 =	sand.u32 $0x1, s2  }
0x3: {  	s4 =	rddreg [dreg:$0x1];
	s30 =	sshll.u32 s0, $0x6;
	s3 =	sshll.u32 s6, $0x5  }
0x4: {  	s9 =	rddreg [dreg:$0x2];
	s10 =	sor.u32 s3, s30  }
0x5: {  	s2 =	rddreg [dreg:$0x3];
	s3 =	simm.s32 $0x0;
	s5 =	sshrl.u32 s10, $0x3  }
0x6: {  	s11 =	ssub.s32 $0x2, s6;
	[smem:$0x7FF] =	sst s3;
	s4 =	sadd.s32 s5, s4  }
0x7: {  	_ =	strace $0x80000047;
	s5 =	sadd.s32 $0x1600, s4;
	s4 =	simm.s32 $0x2  }
0x8: {  	[tilespmem:s3], [sflag:$0x2] =	stream.linear.gather [hbm4b:s5+s3], $0x20, $0x38;
	[tilespmem:$0x1080] =	vst v63  }
0x9: {  	s7 =	simm.s32 $0x80;
	s12 =	sshrl.u32 s11, $0x1;
	_ =	swait.ge [sflag:s4], $0x20  }
0xa: {  	s8 =	simm.s32 $0x1;
	s11 =	ssub.s32 s11, s12;
	[sflag:s4] =	ssyncset.done $0x0  }
0xb: {  	s6 =	simm.s32 $0x20;
	s31 =	smax.u32 s11, $0x1;
	[sflag:s4] =	ssyncadd.s32 $0xFFFFFFE0  }
0xc: {  	[tilespmem:s7], [sflag:$0x1] =	stream.indirect.gather [hbm4b:s1+s6], $0x80, s3, s6, $0xb8;
	[tilespmem:$0x1080] =	vst v63  }
0xd: {  	p0 =	sne.s32 s31, $0x1;
	_ =	swait.ge [sflag:s8], $0x1000  }
.Ltmp0:
0xe: {  	s10 =	sshll.u32 s10, $0x4;
	[sflag:s8] =	ssyncset.done $0x0;
	(pc) =	sbr.rel @!p0 .LBB2_2-.Ltmp0, $4  }
0xf: {  	s9 =	sadd.s32 s9, s10;
	[sflag:s8] =	ssyncadd.s32 $0xFFFFF000  }
0x10: {  	[hbm4b:s9+s3] =	stream.linear.scatter [tilespmem:s7], [sflag:$0x2], $0x1000, $0x38;
	[tilespmem:$0x1080] =	vst v63  }
0x11: {  	_ =	swait.ge [sflag:s4], $0x1000  }
0x12: {  	s10 =	sadd.s32 $0xFFFFFFFF, s31;
	[sflag:s4] =	ssyncset.done $0x0  }
.LBB2_1:
0x13: {  	p0 =	sne.s32 s10, $0x1;
	s10 =	sadd.s32 $0xFFFFFFFF, s10;
	[sflag:s4] =	ssyncadd.s32 $0xFFFFF000  }
0x14: {  	[tilespmem:s3], [sflag:$0x2] =	stream.linear.gather [hbm4b:s5+s3], $0x20, $0x38;
	[tilespmem:$0x1080] =	vst v63  }
0x15: {  	_ =	swait.ge [sflag:s4], $0x20  }
0x16: {  	[sflag:s4] =	ssyncset.done $0x0  }
0x17: {  	[sflag:s4] =	ssyncadd.s32 $0xFFFFFFE0  }
0x18: {  	[tilespmem:s7], [sflag:$0x1] =	stream.indirect.gather [hbm4b:s1+s6], $0x80, s3, s6, $0xb8;
	[tilespmem:$0x1080] =	vst v63  }
0x19: {  	_ =	swait.ge [sflag:s8], $0x1000  }
.Ltmp1:
0x1a: {  	[sflag:s8] =	ssyncset.done $0x0;
	(pc) =	sbr.rel @p0 .LBB2_1-.Ltmp1, $4  }
0x1b: {  	[sflag:s8] =	ssyncadd.s32 $0xFFFFF000  }
0x1c: {  	[hbm4b:s9+s3] =	stream.linear.scatter [tilespmem:s7], [sflag:$0x2], $0x1000, $0x38;
	[tilespmem:$0x1080] =	vst v63  }
0x1d: {  	_ =	swait.ge [sflag:s4], $0x1000  }
0x1e: {  	[sflag:s4] =	ssyncset.done $0x0  }
.LBB2_2:
0x1f: {  	[sflag:s4] =	ssyncadd.s32 $0xFFFFF000  }
0x20: {  	_ =	sfence.sel $0x180000  }
0x21: {  	[bflag:$0x0] =	sbarrier.arrive $0xFFFF  }
0x22: {  	p0 =	sne.s32 s0, $0x0;
	_ =	strace $0x90000047  }
0x23: {  	s0 =	sadd.s32 @!p0 $0x100000, s2;
	[bflag:$0x2] =	sbarrier.arrive $0xFFFF  }
0x24: {  	[sflag:s0] =	ssyncadd.tile.s32 @!p0 $0x1;
	_ =	shalt  }
.Lfunc_end2:
_tile_overlayer_lowered:
.L_overlay_start_2:
0x25: {  	(tag) =	ssettag $0x2  }
0x26: {  	s0 =	rddreg [dreg:$0x0];
	s2 =	stileid.u32  }
0x27: {  	s1 =	rddreg [dreg:$0x1];
	p0 =	sne.s32 s2, $0x0  }
0x28: {  	s3 =	rddreg [dreg:$0x2];
	[bflag:$0x3] =	sbarrier.arrive $0xFFFF;
	s2 =	simm.s32 @!p0 $0x1C02  }
0x29: {  	[timem:s3], [sflag:s2] =	dma.local @!p0 [hbm:s0], s1  }
0x2a: {  	s0 =	simm.s32 @!p0 $0x2  }
0x2b: {  	_ =	swait.ge @!p0 [sflag:s0], s1  }
0x2c: {  	s1 =	ssub.s32 @!p0 $0x0, s1;
	[sflag:s0] =	ssyncset.done @!p0 $0x0  }
0x2d: {  	[sflag:s0] =	ssyncadd.s32 @!p0 s1  }
0x2e: {  	[bflag:$0x3] =	sbarrier.arrive $0xFFFF  }
0x2f: {  	_ =	shalt  }

</sc_bundles>
